<compile_context>
chip_gen: v7x
topology: tpu7x:2x2x1
jax: 0.10.2.dev20260603
libtpu: 0.0.44.dev20260713+nightly
codegen_flags: <defaults>
</compile_context>

<pallas_src>
import functools

import jax
import jax.numpy as jnp
from jax import lax
from jax.experimental import pallas as pl
from jax.experimental.pallas import tpu as pltpu
from jax.experimental.pallas import tpu_sc as plsc

N = 10000
E = 160000
B = 4
EPS = 1e-5

NPAD = 10240
W16 = 16
CHUNK = 128
GROUP = 4
EPAD = 163840
ROWS_PT = NPAD // 16

_f32 = jnp.float32



NT1 = 16
EPT1 = EPAD // NT1
CH1 = EPT1 // (GROUP * CHUNK)
RPT = NPAD // NT1


def _rsqrt16(d):
    i = plsc.bitcast(d, jnp.int32)
    i = jnp.full((16,), 0x5F3759DF, jnp.int32) - lax.shift_right_logical(i, 1)
    y = plsc.bitcast(i, _f32)
    half = jnp.full((16,), 0.5, _f32)
    threehalf = jnp.full((16,), 1.5, _f32)
    for _ in range(3):
        y = y * (threehalf - half * d * y * y)
    return y


def _edge_pass(table, src_v, dst_v, rows0_v, rows1_v, acc, sem0, sem1):
    pltpu.async_copy(table.at[src_v.at[0, 0]], rows0_v, sem0)

    @pl.loop(0, CH1 // 2)
    def _(jj):
        j0 = 2 * jj
        pltpu.async_copy(table.at[src_v.at[j0 + 1, 0]], rows1_v, sem1)
        pltpu.make_async_copy(
            table.at[src_v.at[j0, 0]], rows0_v, sem0).wait()
        pltpu.sync_copy(rows0_v, acc.at[dst_v.at[j0, 0]], add=True)

        @pl.when(jj + 1 < CH1 // 2)
        def _():
            pltpu.async_copy(table.at[src_v.at[j0 + 2, 0]], rows0_v, sem0)

        pltpu.make_async_copy(
            table.at[src_v.at[j0 + 1, 0]], rows1_v, sem1).wait()
        pltpu.sync_copy(rows1_v, acc.at[dst_v.at[j0 + 1, 0]], add=True)


def _sc_gcn_call(sv_ext, src3, dst3, ones_rows, zeros_pt):
    out_t = jax.ShapeDtypeStruct((NPAD, W16), _f32)

    mesh = plsc.VectorSubcoreMesh(core_axis_name="c", subcore_axis_name="s",
                                  num_cores=1)

    @functools.partial(
        pl.kernel, mesh=mesh, out_type=out_t,
        compiler_params=pltpu.CompilerParams(use_tc_tiling_on_sc=False,
                                             needs_layout_passes=False),
        scratch_types=[
            pltpu.VMEM((CH1, 1, GROUP * CHUNK), jnp.int32),
            pltpu.VMEM((CH1, 1, GROUP * CHUNK), jnp.int32),
            pltpu.VMEM((GROUP * CHUNK, W16), _f32),
            pltpu.VMEM((GROUP * CHUNK, W16), _f32),
            pltpu.VMEM((RPT, W16), _f32),
            pltpu.VMEM((RPT, W16), _f32),
            pltpu.VMEM((RPT, W16), _f32),
            pltpu.VMEM((RPT, W16), _f32),
            pltpu.VMEM_SHARED((NPAD, W16), _f32),
            pltpu.VMEM_SHARED((NPAD, W16), _f32),
            pltpu.VMEM_SHARED((NPAD, W16), _f32),
            pltpu.SemaphoreType.DMA,
            pltpu.SemaphoreType.DMA,
        ])
    def body(sv_hbm, src_hbm, dst_hbm, ones_hbm, z_hbm, w_out,
             src_v, dst_v, rows0_v, rows1_v, bufA, bufB, bufC, bufD,
             tab, accA, accB, sem0, sem1):
        sid = lax.axis_index("s")
        sl = pl.ds(sid * RPT, RPT)
        pltpu.sync_copy(src_hbm.at[pl.ds(sid * CH1, CH1)], src_v)
        pltpu.sync_copy(dst_hbm.at[pl.ds(sid * CH1, CH1)], dst_v)
        pltpu.sync_copy(z_hbm, accA.at[sl])
        pltpu.sync_copy(z_hbm, accB.at[sl])
        pltpu.sync_copy(ones_hbm, rows0_v)
        plsc.subcore_barrier()

        @pl.loop(0, CH1)
        def _(j):
            pltpu.sync_copy(rows0_v, accA.at[dst_v.at[j, 0]], add=True)

        plsc.subcore_barrier()

        pltpu.sync_copy(accA.at[sl], bufB)
        pltpu.sync_copy(sv_hbm.at[sl], bufA)
        one = jnp.full((16,), 1.0, _f32)

        @pl.loop(0, RPT)
        def _(r):
            y = _rsqrt16(bufB[r, :] + one)
            bufB[r, :] = y
            bufA[r, :] = y * bufA[r, :]

        pltpu.sync_copy(bufA, tab.at[sl])
        pltpu.sync_copy(z_hbm, accA.at[sl])
        plsc.subcore_barrier()

        _edge_pass(tab, src_v, dst_v, rows0_v, rows1_v, accB, sem0, sem1)
        plsc.subcore_barrier()

        pltpu.sync_copy(accB.at[sl], bufC)

        @pl.loop(0, RPT)
        def _(r):
            u = bufB[r, :] * (bufC[r, :] + bufA[r, :])
            bufC[r, :] = u
            bufD[r, :] = bufB[r, :] * u

        pltpu.sync_copy(bufD, tab.at[sl])
        plsc.subcore_barrier()

        _edge_pass(tab, src_v, dst_v, rows0_v, rows1_v, accA, sem0, sem1)
        plsc.subcore_barrier()

        pltpu.sync_copy(accA.at[sl], bufA)
        is12 = lax.iota(jnp.int32, 16) == jnp.full((16,), 12, jnp.int32)

        @pl.loop(0, RPT)
        def _(r):
            w = bufB[r, :] * (bufA[r, :] + bufD[r, :])
            bufA[r, :] = jnp.where(is12, bufC[r, :], w)

        pltpu.sync_copy(bufA, w_out.at[sl])

    return body(sv_ext, src3, dst3, ones_rows, zeros_pt)



def _dotT(a, b):
    return lax.dot_general(a, b, (((1,), (1,)), ((), ())),
                           preferred_element_type=_f32)


def _head_kernel(x_ref, md_ref, cwih_ref, cbih_ref, cbhh_ref,
                 m1w_ref, m1b_ref, m1a_ref, m1g_ref, m1beta_ref, m1rm_ref,
                 m1rv_ref, mwih_ref, mbih_ref, mbhh_ref,
                 g1w_ref, g1b_ref, g2w_ref, g2b_ref, outw_ref, outb_ref,
                 nh_ref, nmh_ref, h1_ref, mats_ref):
    def gru0(gi, bhh):
        h = gi.shape[1] // 3
        r = jax.nn.sigmoid(gi[:, :h] + bhh[:, :h])
        z = jax.nn.sigmoid(gi[:, h:2 * h] + bhh[:, h:2 * h])
        n = jnp.tanh(gi[:, 2 * h:] + r * bhh[:, 2 * h:])
        return (1.0 - z) * n

    gi = _dotT(x_ref[...], cwih_ref[...]) + cbih_ref[...]
    nh = gru0(gi, cbhh_ref[...])
    nh_ref[...] = nh
    gim = _dotT(md_ref[...], mwih_ref[...]) + mbih_ref[...]
    nmh_ref[...] = gru0(gim, mbhh_ref[...])
    h1 = _dotT(nh, m1w_ref[...]) + m1b_ref[...]
    h1 = jnp.where(h1 >= 0, h1, m1a_ref[...] * h1)
    h1 = ((h1 - m1rm_ref[...]) * lax.rsqrt(m1rv_ref[...] + EPS)
          * m1g_ref[...] + m1beta_ref[...])
    h1_ref[...] = h1
    wo2 = outw_ref[:, 8:]
    k = lax.dot_general(g2w_ref[...], wo2, (((0,), (1,)), ((), ())),
                        preferred_element_type=_f32)
    m = lax.dot_general(g1w_ref[...], k, (((0,), (0,)), ((), ())),
                        preferred_element_type=_f32)
    c1 = lax.dot_general(g1b_ref[...], k, (((1,), (0,)), ((), ())),
                         preferred_element_type=_f32)
    c2 = lax.dot_general(g2b_ref[...], wo2, (((1,), (1,)), ((), ())),
                         preferred_element_type=_f32) + outb_ref[...]
    mats_ref[...] = jnp.concatenate([m, c1, c2], axis=0)


def _mlp2_kernel(h1_ref, w_ref, b_ref, a_ref, g_ref, beta_ref, rm_ref,
                 rv_ref, h2_ref):
    z = _dotT(h1_ref[...], w_ref[...]) + b_ref[...]
    z = jnp.where(z >= 0, z, a_ref[...] * z)
    h2_ref[...] = ((z - rm_ref[...]) * lax.rsqrt(rv_ref[...] + EPS)
                   * g_ref[...] + beta_ref[...])


def _final_kernel(w_ref, gr0_ref, gr1_ref, gr2_ref, gr3_ref, mats_ref,
                  outw_ref, y0_ref, y1_ref, y2_ref, y3_ref):
    w16 = w_ref[...]
    m = mats_ref[0:3, :]
    c1 = mats_ref[3:4, :]
    c2 = mats_ref[4:5, :]
    wo1 = outw_ref[:, 0:8]
    sb = w16[:, 12:13]
    common = lax.dot_general(sb, c1, (((1,), (0,)), ((), ())),
                             preferred_element_type=_f32) + c2
    gru_refs = (gr0_ref, gr1_ref, gr2_ref, gr3_ref)
    y_refs = (y0_ref, y1_ref, y2_ref, y3_ref)
    for b in range(B):
        wb = w16[:, 3 * b:3 * b + 3]
        yb = _dotT(gru_refs[b][...], wo1)
        yb = yb + lax.dot_general(wb, m, (((1,), (0,)), ((), ())),
                                  preferred_element_type=_f32)
        y_refs[b][...] = yb + common



def kernel(x, motion_data, smoothed_vert_pos, edge_index, cell_Wih, cell_Whh,
           cell_bih, cell_bhh, mlp1_W, mlp1_b, mlp1_a, mlp1_g, mlp1_beta,
           mlp1_rm, mlp1_rv, mlp2_W, mlp2_b, mlp2_a, mlp2_g, mlp2_beta,
           mlp2_rm, mlp2_rv, out_W, out_b, m_Wih, m_Whh, m_bih, m_bhh,
           ml_W, ml_b, g1_W, g1_b, g2_W, g2_b):
    src = edge_index[0].astype(jnp.int32)
    dst = edge_index[1].astype(jnp.int32)
    src2d = jnp.concatenate(
        [src, jnp.zeros((EPAD - E,), jnp.int32)]).reshape(
            EPAD // (GROUP * CHUNK), 1, GROUP * CHUNK)
    dst2d = jnp.concatenate(
        [dst, jnp.full((EPAD - E,), N, jnp.int32)]).reshape(
            EPAD // (GROUP * CHUNK), 1, GROUP * CHUNK)

    svp = smoothed_vert_pos.reshape(B, N, 3).transpose(1, 0, 2).reshape(N, 12)
    sv_ext = jnp.concatenate(
        [svp, jnp.ones((N, 1), _f32), jnp.zeros((N, 3), _f32)], axis=1)
    sv_ext = jnp.pad(sv_ext, ((0, NPAD - N), (0, 0)))

    zeros_pt = jnp.zeros((ROWS_PT, W16), _f32)
    ones_rows = jnp.ones((GROUP * CHUNK, W16), _f32)

    w16s = _sc_gcn_call(sv_ext, src2d, dst2d, ones_rows, zeros_pt)

    row = lambda v: v.reshape(1, -1)
    next_hidden, next_motion_hidden, h1, mats = pl.pallas_call(
        _head_kernel,
        out_shape=(jax.ShapeDtypeStruct((B, 512), _f32),
                   jax.ShapeDtypeStruct((B, 128), _f32),
                   jax.ShapeDtypeStruct((B, 512), _f32),
                   jax.ShapeDtypeStruct((5, 3), _f32)),
    )(x, motion_data, cell_Wih, row(cell_bih), row(cell_bhh),
      mlp1_W, row(mlp1_b), row(mlp1_a), row(mlp1_g), row(mlp1_beta),
      row(mlp1_rm), row(mlp1_rv), m_Wih, row(m_bih), row(m_bhh),
      g1_W, row(g1_b), g2_W, row(g2_b), out_W, row(out_b))

    RT = 3200
    nsteps = 80000 // RT
    h2 = pl.pallas_call(
        _mlp2_kernel,
        grid=(nsteps,),
        in_specs=[
            pl.BlockSpec((B, 512), lambda i: (0, 0)),
            pl.BlockSpec((RT, 512), lambda i: (i, 0)),
            pl.BlockSpec((1, RT), lambda i: (0, i)),
            pl.BlockSpec((1, RT), lambda i: (0, i)),
            pl.BlockSpec((1, RT), lambda i: (0, i)),
            pl.BlockSpec((1, RT), lambda i: (0, i)),
            pl.BlockSpec((1, RT), lambda i: (0, i)),
            pl.BlockSpec((1, RT), lambda i: (0, i)),
        ],
        out_specs=pl.BlockSpec((B, RT), lambda i: (0, i)),
        out_shape=jax.ShapeDtypeStruct((B, 80000), _f32),
    )(h1, mlp2_W, row(mlp2_b), row(mlp2_a), row(mlp2_g), row(mlp2_beta),
      row(mlp2_rm), row(mlp2_rv))

    gru = jnp.pad(h2.reshape(B, N, 8), ((0, 0), (0, NPAD - N), (0, 0)))
    TR = 1024
    fsteps = NPAD // TR
    blk16 = pl.BlockSpec((TR, W16), lambda i: (i, 0))
    blk8 = pl.BlockSpec((TR, 8), lambda i: (i, 0))
    ys = pl.pallas_call(
        _final_kernel,
        grid=(fsteps,),
        in_specs=[blk16,
                  blk8, blk8, blk8, blk8,
                  pl.BlockSpec((5, 3), lambda i: (0, 0)),
                  pl.BlockSpec((3, 136), lambda i: (0, 0))],
        out_specs=[pl.BlockSpec((TR, 3), lambda i: (i, 0))] * 4,
        out_shape=[jax.ShapeDtypeStruct((NPAD, 3), _f32)] * 4,
    )(w16s,
      gru[0], gru[1], gru[2], gru[3], mats, out_W)

    y = jnp.stack(ys)[:, :N, :].reshape(B, N * 3)
    return (y, next_hidden, next_motion_hidden)

# --- scband reference (transcript-rebuilt; emitter-appended) ---
"""Pipeline reference for scband-my-gru-gcn-model-motion-18253611008143 (READ-ONLY COPY).

The authoritative reference and input builder live on the scoring server;
editing this copy changes nothing except your own understanding.
"""

import jax, jax.numpy as jnp
import numpy as np

N = 10000
E = 160000
B = 4
INPUT_NUM = 128
HIDDEN = 512
GRU_OUT_DIM = 8
EPS = 1e-5


def setup_inputs(seed: int = 0):
    key = jax.random.key(seed)
    ks = [jax.random.fold_in(key, i) for i in range(40)]
    def p(i, shape, s=0.05):
        return jax.random.normal(ks[i], shape, dtype=jnp.float32) * s
    inp = {}
    inp['x'] = jax.random.normal(ks[0], (B, INPUT_NUM), dtype=jnp.float32)
    inp['motion_data'] = jax.random.normal(ks[1], (B, 63), dtype=jnp.float32)
    inp['smoothed_vert_pos'] = jax.random.normal(ks[2], (B, N * 3), dtype=jnp.float32)
    inp['edge_index'] = jax.random.randint(ks[3], (2, E), 0, N)
    inp['cell_Wih'] = p(4, (3 * HIDDEN, INPUT_NUM))
    inp['cell_Whh'] = p(5, (3 * HIDDEN, HIDDEN))
    inp['cell_bih'] = p(6, (3 * HIDDEN,))
    inp['cell_bhh'] = p(7, (3 * HIDDEN,))
    inp['mlp1_W'] = p(8, (512, 512))
    inp['mlp1_b'] = p(9, (512,))
    inp['mlp1_a'] = 0.25 * jnp.ones((512,), jnp.float32)
    inp['mlp1_g'] = jnp.ones((512,), jnp.float32)
    inp['mlp1_beta'] = jnp.zeros((512,), jnp.float32)
    inp['mlp1_rm'] = jnp.zeros((512,), jnp.float32)
    inp['mlp1_rv'] = jnp.ones((512,), jnp.float32)
    inp['mlp2_W'] = p(10, (80000, 512))
    inp['mlp2_b'] = p(11, (80000,))
    inp['mlp2_a'] = 0.25 * jnp.ones((80000,), jnp.float32)
    inp['mlp2_g'] = jnp.ones((80000,), jnp.float32)
    inp['mlp2_beta'] = jnp.zeros((80000,), jnp.float32)
    inp['mlp2_rm'] = jnp.zeros((80000,), jnp.float32)
    inp['mlp2_rv'] = jnp.ones((80000,), jnp.float32)
    inp['out_W'] = p(12, (3, 136))
    inp['out_b'] = p(13, (3,))
    inp['m_Wih'] = p(14, (3 * 128, 63))
    inp['m_Whh'] = p(15, (3 * 128, 128))
    inp['m_bih'] = p(16, (3 * 128,))
    inp['m_bhh'] = p(17, (3 * 128,))
    inp['ml_W'] = p(18, (306, 128))
    inp['ml_b'] = p(19, (306,))
    inp['g1_W'] = p(20, (128, 3))
    inp['g1_b'] = p(21, (128,))
    inp['g2_W'] = p(22, (128, 128))
    inp['g2_b'] = p(23, (128,))
    return inp


def _gru_cell(x, h, Wih, Whh, bih, bhh):
    gi = x @ Wih.T + bih
    gh = h @ Whh.T + bhh
    ir, iz, inn = jnp.split(gi, 3, axis=1)
    hr, hz, hn = jnp.split(gh, 3, axis=1)
    r = jax.nn.sigmoid(ir + hr)
    z = jax.nn.sigmoid(iz + hz)
    n = jnp.tanh(inn + r * hn)
    return (1.0 - z) * n + z * h


def _gcn_conv(x, src, dst, W, b):
    n = x.shape[0]
    h = x @ W.T
    deg = jnp.zeros((n,), x.dtype).at[dst].add(jnp.ones(src.shape[0], x.dtype))
    dinv = jnp.where(deg > 0, 1.0 / jnp.sqrt(jnp.where(deg > 0, deg, 1.0)), 0.0)
    norm = dinv[src] * dinv[dst]
    msg = h[src] * norm[:, None]
    return jnp.zeros((n, W.shape[0]), x.dtype).at[dst].add(msg) + b


def reference(x, motion_data, smoothed_vert_pos, edge_index, cell_Wih, cell_Whh, cell_bih, cell_bhh, mlp1_W, mlp1_b, mlp1_a, mlp1_g, mlp1_beta, mlp1_rm, mlp1_rv, mlp2_W, mlp2_b, mlp2_a, mlp2_g, mlp2_beta, mlp2_rm, mlp2_rv, out_W, out_b, m_Wih, m_Whh, m_bih, m_bhh, ml_W, ml_b, g1_W, g1_b, g2_W, g2_b):
    Bsz = x.shape[0]
    # motion_weight branch: GRUCell(63->128) then Linear(128->306)+sigmoid
    mh = jnp.zeros((Bsz, 128), jnp.float32)
    next_motion_hidden = _gru_cell(motion_data, mh, m_Wih, m_Whh, m_bih, m_bhh)
    edge_weights = jax.nn.sigmoid(next_motion_hidden @ ml_W.T + ml_b)  # computed but unused since p > 0 (eval: no edge dropout)
    # GCN stack on smoothed vertex positions (eval mode: full edge_index, outputs detached)
    loop = jnp.arange(N)
    src = jnp.concatenate([edge_index[0], loop])
    dst = jnp.concatenate([edge_index[1], loop])
    svp = smoothed_vert_pos.reshape(Bsz, N, 3)
    x0 = jax.vmap(lambda v: _gcn_conv(v, src, dst, g1_W, g1_b))(svp)
    x0 = jax.lax.stop_gradient(x0)
    x1 = jax.vmap(lambda v: _gcn_conv(v, src, dst, g2_W, g2_b))(x0)
    x1 = jax.lax.stop_gradient(x1)
    # main GRU + MLP head (eval: dropout = identity, BN uses running stats)
    h0 = jnp.zeros((Bsz, HIDDEN), jnp.float32)
    next_hidden = _gru_cell(x, h0, cell_Wih, cell_Whh, cell_bih, cell_bhh)
    h1 = next_hidden @ mlp1_W.T + mlp1_b
    h1 = jnp.where(h1 >= 0, h1, mlp1_a * h1)
    h1 = (h1 - mlp1_rm) / jnp.sqrt(mlp1_rv + EPS) * mlp1_g + mlp1_beta
    h2 = h1 @ mlp2_W.T + mlp2_b
    h2 = jnp.where(h2 >= 0, h2, mlp2_a * h2)
    h2 = (h2 - mlp2_rm) / jnp.sqrt(mlp2_rv + EPS) * mlp2_g + mlp2_beta
    gru_out = h2.reshape(Bsz, N, GRU_OUT_DIM)
    cat = jnp.concatenate([gru_out, x1], axis=2)
    y = (cat @ out_W.T + out_b).reshape(Bsz, -1)
    return (y, next_hidden, next_motion_hidden)

if __name__ == "__main__":
    import jax
    _d = setup_inputs()
    print(jax.jit(kernel)(*tuple(_d.values())))

</pallas_src>

<mosaic_0001>
#map = affine_map<(d0, d1) -> (0, 0)>
#map1 = affine_map<(d0, d1) -> (0, 0, 0)>
module attributes {stable_mosaic.version = 14 : i64} {
  func.func @body(%arg0: i32, %arg1: i32, %arg2: memref<10240x16xf32, #tpu.memory_space<hbm>>, %arg3: memref<320x1x512xi32, #tpu.memory_space<hbm>>, %arg4: memref<320x1x512xi32, #tpu.memory_space<hbm>>, %arg5: memref<512x16xf32, #tpu.memory_space<hbm>>, %arg6: memref<640x16xf32, #tpu.memory_space<hbm>>, %arg7: memref<10240x16xf32, #tpu.memory_space<hbm>>, %arg8: memref<20x1x512xi32, #tpu.memory_space<vmem>>, %arg9: memref<20x1x512xi32, #tpu.memory_space<vmem>>, %arg10: memref<512x16xf32, #tpu.memory_space<vmem>>, %arg11: memref<512x16xf32, #tpu.memory_space<vmem>>, %arg12: memref<640x16xf32, #tpu.memory_space<vmem>>, %arg13: memref<640x16xf32, #tpu.memory_space<vmem>>, %arg14: memref<640x16xf32, #tpu.memory_space<vmem>>, %arg15: memref<640x16xf32, #tpu.memory_space<vmem>>, %arg16: memref<10240x16xf32, #tpu.memory_space<vmem_shared>>, %arg17: memref<10240x16xf32, #tpu.memory_space<vmem_shared>>, %arg18: memref<10240x16xf32, #tpu.memory_space<vmem_shared>>, %arg19: memref<!tpu.dma_semaphore, #tpu.memory_space<semaphore_mem>>, %arg20: memref<!tpu.dma_semaphore, #tpu.memory_space<semaphore_mem>>) attributes {dimension_semantics = [#tpu.dimension_semantics<core_parallel>, #tpu.dimension_semantics<subcore_parallel>], iteration_bounds = array<i64: 1, 16>, scalar_prefetch = 0 : i64, scratch_operands = 13 : i64, tpu.core_type = #tpu.core_type<sc_vector_subcore>, window_params = [{transform_indices = #map}, {transform_indices = #map1}, {transform_indices = #map1}, {transform_indices = #map}, {transform_indices = #map}, {transform_indices = #map}]} {
    %mul3A = arith.constant 640 : i32
    %mul3A_0 = arith.muli %arg1, %mul3A : i32
    %mul3A_1 = arith.constant 20 : i32
    %mul3A_2 = arith.muli %arg1, %mul3A_1 : i32
    "tpu.region"() ({
      %run_scoped3A = tpu.sem_alloc : memref<!tpu.dma_semaphore, #tpu.memory_space<semaphore_mem>>
      %dma_start3A_57 = arith.constant 0 : i32
      %dma_start3A_58 = arith.constant 0 : i32
      %dma_start3A_59 = tpu.memref_slice %arg3[%mul3A_2, %dma_start3A_57, %dma_start3A_58] : memref<320x1x512xi32, #tpu.memory_space<hbm>> -> memref<20x1x512xi32, #tpu.memory_space<hbm>>
      %dma_start3A_60 = arith.constant 0 : i32
      %dma_start3A_61 = arith.constant 0 : i32
      %dma_start3A_62 = tpu.memref_slice %arg3[%mul3A_2, %dma_start3A_60, %dma_start3A_61] : memref<320x1x512xi32, #tpu.memory_space<hbm>> -> memref<20x1x512xi32, #tpu.memory_space<hbm>>
      tpu.enqueue_dma source(%dma_start3A_62 : memref<20x1x512xi32, #tpu.memory_space<hbm>>) target(%arg8 : memref<20x1x512xi32, #tpu.memory_space<vmem>>) target_semaphore(%run_scoped3A : memref<!tpu.dma_semaphore, #tpu.memory_space<semaphore_mem>>)
      %dma_wait3A = arith.constant 0 : i32
      %dma_wait3A_63 = arith.constant 0 : i32
      %dma_wait3A_64 = tpu.memref_slice %arg3[%mul3A_2, %dma_wait3A, %dma_wait3A_63] : memref<320x1x512xi32, #tpu.memory_space<hbm>> -> memref<20x1x512xi32, #tpu.memory_space<hbm>>
      %dma_wait3A_65 = arith.constant 0 : i32
      %dma_wait3A_66 = arith.constant 0 : i32
      %dma_wait3A_67 = tpu.memref_slice %arg3[%mul3A_2, %dma_wait3A_65, %dma_wait3A_66] : memref<320x1x512xi32, #tpu.memory_space<hbm>> -> memref<20x1x512xi32, #tpu.memory_space<hbm>>
      tpu.wait_dma2 semaphore(%run_scoped3A : memref<!tpu.dma_semaphore, #tpu.memory_space<semaphore_mem>>) src(%dma_wait3A_67 : memref<20x1x512xi32, #tpu.memory_space<hbm>>) dst(%arg8 : memref<20x1x512xi32, #tpu.memory_space<vmem>>)
      tpu.yield
    }) : () -> ()
    %mul3A_3 = arith.constant 20 : i32
    %mul3A_4 = arith.muli %arg1, %mul3A_3 : i32
    "tpu.region"() ({
      %run_scoped3A = tpu.sem_alloc : memref<!tpu.dma_semaphore, #tpu.memory_space<semaphore_mem>>
      %dma_start3A_57 = arith.constant 0 : i32
      %dma_start3A_58 = arith.constant 0 : i32
      %dma_start3A_59 = tpu.memref_slice %arg4[%mul3A_4, %dma_start3A_57, %dma_start3A_58] : memref<320x1x512xi32, #tpu.memory_space<hbm>> -> memref<20x1x512xi32, #tpu.memory_space<hbm>>
      %dma_start3A_60 = arith.constant 0 : i32
      %dma_start3A_61 = arith.constant 0 : i32
      %dma_start3A_62 = tpu.memref_slice %arg4[%mul3A_4, %dma_start3A_60, %dma_start3A_61] : memref<320x1x512xi32, #tpu.memory_space<hbm>> -> memref<20x1x512xi32, #tpu.memory_space<hbm>>
      tpu.enqueue_dma source(%dma_start3A_62 : memref<20x1x512xi32, #tpu.memory_space<hbm>>) target(%arg9 : memref<20x1x512xi32, #tpu.memory_space<vmem>>) target_semaphore(%run_scoped3A : memref<!tpu.dma_semaphore, #tpu.memory_space<semaphore_mem>>)
      %dma_wait3A = arith.constant 0 : i32
      %dma_wait3A_63 = arith.constant 0 : i32
      %dma_wait3A_64 = tpu.memref_slice %arg4[%mul3A_4, %dma_wait3A, %dma_wait3A_63] : memref<320x1x512xi32, #tpu.memory_space<hbm>> -> memref<20x1x512xi32, #tpu.memory_space<hbm>>
      %dma_wait3A_65 = arith.constant 0 : i32
      %dma_wait3A_66 = arith.constant 0 : i32
      %dma_wait3A_67 = tpu.memref_slice %arg4[%mul3A_4, %dma_wait3A_65, %dma_wait3A_66] : memref<320x1x512xi32, #tpu.memory_space<hbm>> -> memref<20x1x512xi32, #tpu.memory_space<hbm>>
      tpu.wait_dma2 semaphore(%run_scoped3A : memref<!tpu.dma_semaphore, #tpu.memory_space<semaphore_mem>>) src(%dma_wait3A_67 : memref<20x1x512xi32, #tpu.memory_space<hbm>>) dst(%arg9 : memref<20x1x512xi32, #tpu.memory_space<vmem>>)
      tpu.yield
    }) : () -> ()
    "tpu.region"() ({
      %run_scoped3A = tpu.sem_alloc : memref<!tpu.dma_semaphore, #tpu.memory_space<semaphore_mem>>
      %dma_start3A_57 = arith.constant 0 : i32
      %dma_start3A_58 = tpu.memref_slice %arg17[%mul3A_0, %dma_start3A_57] : memref<10240x16xf32, #tpu.memory_space<vmem_shared>> -> memref<640x16xf32, #tpu.memory_space<vmem_shared>>
      tpu.enqueue_dma source(%arg6 : memref<640x16xf32, #tpu.memory_space<hbm>>) target(%dma_start3A_58 : memref<640x16xf32, #tpu.memory_space<vmem_shared>>) target_semaphore(%run_scoped3A : memref<!tpu.dma_semaphore, #tpu.memory_space<semaphore_mem>>)
      %dma_wait3A = arith.constant 0 : i32
      %dma_wait3A_59 = tpu.memref_slice %arg17[%mul3A_0, %dma_wait3A] : memref<10240x16xf32, #tpu.memory_space<vmem_shared>> -> memref<640x16xf32, #tpu.memory_space<vmem_shared>>
      tpu.wait_dma2 semaphore(%run_scoped3A : memref<!tpu.dma_semaphore, #tpu.memory_space<semaphore_mem>>) src(%arg6 : memref<640x16xf32, #tpu.memory_space<hbm>>) dst(%dma_wait3A_59 : memref<640x16xf32, #tpu.memory_space<vmem_shared>>)
      tpu.yield
    }) : () -> ()
    "tpu.region"() ({
      %run_scoped3A = tpu.sem_alloc : memref<!tpu.dma_semaphore, #tpu.memory_space<semaphore_mem>>
      %dma_start3A_57 = arith.constant 0 : i32
      %dma_start3A_58 = tpu.memref_slice %arg18[%mul3A_0, %dma_start3A_57] : memref<10240x16xf32, #tpu.memory_space<vmem_shared>> -> memref<640x16xf32, #tpu.memory_space<vmem_shared>>
      tpu.enqueue_dma source(%arg6 : memref<640x16xf32, #tpu.memory_space<hbm>>) target(%dma_start3A_58 : memref<640x16xf32, #tpu.memory_space<vmem_shared>>) target_semaphore(%run_scoped3A : memref<!tpu.dma_semaphore, #tpu.memory_space<semaphore_mem>>)
      %dma_wait3A = arith.constant 0 : i32
      %dma_wait3A_59 = tpu.memref_slice %arg18[%mul3A_0, %dma_wait3A] : memref<10240x16xf32, #tpu.memory_space<vmem_shared>> -> memref<640x16xf32, #tpu.memory_space<vmem_shared>>
      tpu.wait_dma2 semaphore(%run_scoped3A : memref<!tpu.dma_semaphore, #tpu.memory_space<semaphore_mem>>) src(%arg6 : memref<640x16xf32, #tpu.memory_space<hbm>>) dst(%dma_wait3A_59 : memref<640x16xf32, #tpu.memory_space<vmem_shared>>)
      tpu.yield
    }) : () -> ()
    "tpu.region"() ({
      %run_scoped3A = tpu.sem_alloc : memref<!tpu.dma_semaphore, #tpu.memory_space<semaphore_mem>>
      tpu.enqueue_dma source(%arg5 : memref<512x16xf32, #tpu.memory_space<hbm>>) target(%arg10 : memref<512x16xf32, #tpu.memory_space<vmem>>) target_semaphore(%run_scoped3A : memref<!tpu.dma_semaphore, #tpu.memory_space<semaphore_mem>>)
      tpu.wait_dma2 semaphore(%run_scoped3A : memref<!tpu.dma_semaphore, #tpu.memory_space<semaphore_mem>>) src(%arg5 : memref<512x16xf32, #tpu.memory_space<hbm>>) dst(%arg10 : memref<512x16xf32, #tpu.memory_space<vmem>>)
      tpu.yield
    }) : () -> ()
    %barrier3A = arith.constant 0 : index
    tpu.barrier barrier_id(%barrier3A)
    %scan3A = arith.constant 0 : i32
    %scan3A_5 = arith.constant 20 : i32
    %scan3A_6 = arith.addi %scan3A, %scan3A_5 : i32
    %scan3A_7 = arith.constant 1 : i32
    scf.for %scan3A_57 = %scan3A to %scan3A_6 step %scan3A_7  : i32 {
      %mul3A_58 = arith.constant 1 : i32
      %mul3A_59 = arith.muli %scan3A_57, %mul3A_58 : i32
      %add3A = arith.constant 0 : i32
      %add3A_60 = arith.addi %add3A, %mul3A_59 : i32
      %run_scoped3A = arith.constant 0 : i32
      "tpu.region"() ({
        %run_scoped3A_61 = tpu.sem_alloc : memref<!tpu.dma_semaphore, #tpu.memory_space<semaphore_mem>>
        %dma_start3A_62 = arith.constant 0 : i32
        %dma_start3A_63 = tpu.memref_slice %arg9[%add3A_60, %run_scoped3A, %dma_start3A_62] : memref<20x1x512xi32, #tpu.memory_space<vmem>> -> memref<1x1x512xi32, #tpu.memory_space<vmem>>
        %dma_start3A_64 = tpu.memref_squeeze %dma_start3A_63 : memref<1x1x512xi32, #tpu.memory_space<vmem>> -> memref<512xi32, #tpu.memory_space<vmem>>
        %dma_start3A_65 = arith.constant 0 : i32
        %dma_start3A_66 = arith.constant 0 : i32
        %dma_start3A_67 = tpu.memref_slice %arg17[%dma_start3A_65, %dma_start3A_66] : memref<10240x16xf32, #tpu.memory_space<vmem_shared>> -> memref<10240x16xf32, #tpu.memory_space<vmem_shared>>
        tpu.enqueue_indirect_dma source(%arg10 : memref<512x16xf32, #tpu.memory_space<vmem>>) target(%dma_start3A_67 : memref<10240x16xf32, #tpu.memory_space<vmem_shared>>) offsets(%dma_start3A_64 : memref<512xi32, #tpu.memory_space<vmem>>) semaphore(%run_scoped3A_61 : memref<!tpu.dma_semaphore, #tpu.memory_space<semaphore_mem>>) {add = true}
        %dma_wait3A = arith.constant 0 : i32
        %dma_wait3A_68 = tpu.memref_slice %arg9[%add3A_60, %run_scoped3A, %dma_wait3A] : memref<20x1x512xi32, #tpu.memory_space<vmem>> -> memref<1x1x512xi32, #tpu.memory_space<vmem>>
        %dma_wait3A_69 = tpu.memref_squeeze %dma_wait3A_68 : memref<1x1x512xi32, #tpu.memory_space<vmem>> -> memref<512xi32, #tpu.memory_space<vmem>>
        %dma_wait3A_70 = arith.constant 0 : i32
        %dma_wait3A_71 = arith.constant 0 : i32
        %dma_wait3A_72 = tpu.memref_slice %arg17[%dma_wait3A_70, %dma_wait3A_71] : memref<10240x16xf32, #tpu.memory_space<vmem_shared>> -> memref<10240x16xf32, #tpu.memory_space<vmem_shared>>
        tpu.wait_indirect_dma semaphore(%run_scoped3A_61 : memref<!tpu.dma_semaphore, #tpu.memory_space<semaphore_mem>>) src(%arg10 : memref<512x16xf32, #tpu.memory_space<vmem>>) dst(%dma_wait3A_72 : memref<10240x16xf32, #tpu.memory_space<vmem_shared>>)
        tpu.yield
      }) : () -> ()
    }
    %scan3A_8 = arith.constant 20 : i32
    %barrier3A_9 = arith.constant 0 : index
    tpu.barrier barrier_id(%barrier3A_9)
    "tpu.region"() ({
      %run_scoped3A = tpu.sem_alloc : memref<!tpu.dma_semaphore, #tpu.memory_space<semaphore_mem>>
      %dma_start3A_57 = arith.constant 0 : i32
      %dma_start3A_58 = tpu.memref_slice %arg17[%mul3A_0, %dma_start3A_57] : memref<10240x16xf32, #tpu.memory_space<vmem_shared>> -> memref<640x16xf32, #tpu.memory_space<vmem_shared>>
      %dma_start3A_59 = arith.constant 0 : i32
      %dma_start3A_60 = tpu.memref_slice %arg17[%mul3A_0, %dma_start3A_59] : memref<10240x16xf32, #tpu.memory_space<vmem_shared>> -> memref<640x16xf32, #tpu.memory_space<vmem_shared>>
      tpu.enqueue_dma source(%dma_start3A_60 : memref<640x16xf32, #tpu.memory_space<vmem_shared>>) target(%arg13 : memref<640x16xf32, #tpu.memory_space<vmem>>) target_semaphore(%run_scoped3A : memref<!tpu.dma_semaphore, #tpu.memory_space<semaphore_mem>>)
      %dma_wait3A = arith.constant 0 : i32
      %dma_wait3A_61 = tpu.memref_slice %arg17[%mul3A_0, %dma_wait3A] : memref<10240x16xf32, #tpu.memory_space<vmem_shared>> -> memref<640x16xf32, #tpu.memory_space<vmem_shared>>
      %dma_wait3A_62 = arith.constant 0 : i32
      %dma_wait3A_63 = tpu.memref_slice %arg17[%mul3A_0, %dma_wait3A_62] : memref<10240x16xf32, #tpu.memory_space<vmem_shared>> -> memref<640x16xf32, #tpu.memory_space<vmem_shared>>
      tpu.wait_dma2 semaphore(%run_scoped3A : memref<!tpu.dma_semaphore, #tpu.memory_space<semaphore_mem>>) src(%dma_wait3A_63 : memref<640x16xf32, #tpu.memory_space<vmem_shared>>) dst(%arg13 : memref<640x16xf32, #tpu.memory_space<vmem>>)
      tpu.yield
    }) : () -> ()
    "tpu.region"() ({
      %run_scoped3A = tpu.sem_alloc : memref<!tpu.dma_semaphore, #tpu.memory_space<semaphore_mem>>
      %dma_start3A_57 = arith.constant 0 : i32
      %dma_start3A_58 = tpu.memref_slice %arg2[%mul3A_0, %dma_start3A_57] : memref<10240x16xf32, #tpu.memory_space<hbm>> -> memref<640x16xf32, #tpu.memory_space<hbm>>
      %dma_start3A_59 = arith.constant 0 : i32
      %dma_start3A_60 = tpu.memref_slice %arg2[%mul3A_0, %dma_start3A_59] : memref<10240x16xf32, #tpu.memory_space<hbm>> -> memref<640x16xf32, #tpu.memory_space<hbm>>
      tpu.enqueue_dma source(%dma_start3A_60 : memref<640x16xf32, #tpu.memory_space<hbm>>) target(%arg12 : memref<640x16xf32, #tpu.memory_space<vmem>>) target_semaphore(%run_scoped3A : memref<!tpu.dma_semaphore, #tpu.memory_space<semaphore_mem>>)
      %dma_wait3A = arith.constant 0 : i32
      %dma_wait3A_61 = tpu.memref_slice %arg2[%mul3A_0, %dma_wait3A] : memref<10240x16xf32, #tpu.memory_space<hbm>> -> memref<640x16xf32, #tpu.memory_space<hbm>>
      %dma_wait3A_62 = arith.constant 0 : i32
      %dma_wait3A_63 = tpu.memref_slice %arg2[%mul3A_0, %dma_wait3A_62] : memref<10240x16xf32, #tpu.memory_space<hbm>> -> memref<640x16xf32, #tpu.memory_space<hbm>>
      tpu.wait_dma2 semaphore(%run_scoped3A : memref<!tpu.dma_semaphore, #tpu.memory_space<semaphore_mem>>) src(%dma_wait3A_63 : memref<640x16xf32, #tpu.memory_space<hbm>>) dst(%arg12 : memref<640x16xf32, #tpu.memory_space<vmem>>)
      tpu.yield
    }) : () -> ()
    %broadcast_in_dim3A = arith.constant 1.000000e+00 : f32
    %broadcast_in_dim3A_10 = vector.broadcast %broadcast_in_dim3A : f32 to vector<16xf32>
    %scan3A_11 = arith.constant 0 : i32
    %scan3A_12 = arith.constant 640 : i32
    %scan3A_13 = arith.addi %scan3A_11, %scan3A_12 : i32
    %scan3A_14 = arith.constant 1 : i32
    scf.for %scan3A_57 = %scan3A_11 to %scan3A_13 step %scan3A_14  : i32 {
      %mul3A_58 = arith.constant 1 : i32
      %mul3A_59 = arith.muli %scan3A_57, %mul3A_58 : i32
      %add3A = arith.constant 0 : i32
      %add3A_60 = arith.addi %add3A, %mul3A_59 : i32
      %get3A = arith.index_cast %add3A_60 : i32 to index
      %get3A_61 = arith.constant 0 : index
      %get3A_62 = tpu.vector_load %arg13[%get3A, %get3A_61] {strides = array<i32>} : memref<640x16xf32, #tpu.memory_space<vmem>>, vector<16xf32>,
      %add3A_63 = arith.addf %get3A_62, %broadcast_in_dim3A_10 : vector<16xf32>
      %bitcast3A = vector.bitcast %add3A_63 : vector<16xf32> to vector<16xi32>
      %broadcast_in_dim3A_64 = arith.constant 1597463007 : i32
      %broadcast_in_dim3A_65 = vector.broadcast %broadcast_in_dim3A_64 : i32 to vector<16xi32>
      %shift_right_logical3A = arith.constant 1 : i32
      %shift_right_logical3A_66 = vector.broadcast %shift_right_logical3A : i32 to vector<16xi32>
      %shift_right_logical3A_67 = arith.shrui %bitcast3A, %shift_right_logical3A_66 : vector<16xi32>
      %sub3A = arith.subi %broadcast_in_dim3A_65, %shift_right_logical3A_67 : vector<16xi32>
      %bitcast3A_68 = vector.bitcast %sub3A : vector<16xi32> to vector<16xf32>
      %broadcast_in_dim3A_69 = arith.constant 5.000000e-01 : f32
      %broadcast_in_dim3A_70 = vector.broadcast %broadcast_in_dim3A_69 : f32 to vector<16xf32>
      %broadcast_in_dim3A_71 = arith.constant 1.500000e+00 : f32
      %broadcast_in_dim3A_72 = vector.broadcast %broadcast_in_dim3A_71 : f32 to vector<16xf32>
      %mul3A_73 = arith.mulf %broadcast_in_dim3A_70, %add3A_63 : vector<16xf32>
      %mul3A_74 = arith.mulf %mul3A_73, %bitcast3A_68 : vector<16xf32>
      %mul3A_75 = arith.mulf %mul3A_74, %bitcast3A_68 : vector<16xf32>
      %sub3A_76 = arith.subf %broadcast_in_dim3A_72, %mul3A_75 : vector<16xf32>
      %mul3A_77 = arith.mulf %bitcast3A_68, %sub3A_76 : vector<16xf32>
      %mul3A_78 = arith.mulf %broadcast_in_dim3A_70, %add3A_63 : vector<16xf32>
      %mul3A_79 = arith.mulf %mul3A_78, %mul3A_77 : vector<16xf32>
      %mul3A_80 = arith.mulf %mul3A_79, %mul3A_77 : vector<16xf32>
      %sub3A_81 = arith.subf %broadcast_in_dim3A_72, %mul3A_80 : vector<16xf32>
      %mul3A_82 = arith.mulf %mul3A_77, %sub3A_81 : vector<16xf32>
      %mul3A_83 = arith.mulf %broadcast_in_dim3A_70, %add3A_63 : vector<16xf32>
      %mul3A_84 = arith.mulf %mul3A_83, %mul3A_82 : vector<16xf32>
      %mul3A_85 = arith.mulf %mul3A_84, %mul3A_82 : vector<16xf32>
      %sub3A_86 = arith.subf %broadcast_in_dim3A_72, %mul3A_85 : vector<16xf32>
      %mul3A_87 = arith.mulf %mul3A_82, %sub3A_86 : vector<16xf32>
      %swap3A = arith.index_cast %add3A_60 : i32 to index
      %swap3A_88 = arith.constant 0 : index
      %swap3A_89 = tpu.vector_load %arg13[%swap3A, %swap3A_88] {strides = array<i32>} : memref<640x16xf32, #tpu.memory_space<vmem>>, vector<16xf32>,
      tpu.vector_store %arg13[%swap3A, %swap3A_88], %mul3A_87 {strides = array<i32>} : memref<640x16xf32, #tpu.memory_space<vmem>>, vector<16xf32>,
      %get3A_90 = arith.index_cast %add3A_60 : i32 to index
      %get3A_91 = arith.constant 0 : index
      %get3A_92 = tpu.vector_load %arg12[%get3A_90, %get3A_91] {strides = array<i32>} : memref<640x16xf32, #tpu.memory_space<vmem>>, vector<16xf32>,
      %mul3A_93 = arith.mulf %mul3A_87, %get3A_92 : vector<16xf32>
      %swap3A_94 = arith.index_cast %add3A_60 : i32 to index
      %swap3A_95 = arith.constant 0 : index
      %swap3A_96 = tpu.vector_load %arg12[%swap3A_94, %swap3A_95] {strides = array<i32>} : memref<640x16xf32, #tpu.memory_space<vmem>>, vector<16xf32>,
      tpu.vector_store %arg12[%swap3A_94, %swap3A_95], %mul3A_93 {strides = array<i32>} : memref<640x16xf32, #tpu.memory_space<vmem>>, vector<16xf32>,
    }
    %scan3A_15 = arith.constant 640 : i32
    "tpu.region"() ({
      %run_scoped3A = tpu.sem_alloc : memref<!tpu.dma_semaphore, #tpu.memory_space<semaphore_mem>>
      %dma_start3A_57 = arith.constant 0 : i32
      %dma_start3A_58 = tpu.memref_slice %arg16[%mul3A_0, %dma_start3A_57] : memref<10240x16xf32, #tpu.memory_space<vmem_shared>> -> memref<640x16xf32, #tpu.memory_space<vmem_shared>>
      %dma_start3A_59 = arith.constant 0 : i32
      %dma_start3A_60 = tpu.memref_slice %arg16[%mul3A_0, %dma_start3A_59] : memref<10240x16xf32, #tpu.memory_space<vmem_shared>> -> memref<640x16xf32, #tpu.memory_space<vmem_shared>>
      tpu.enqueue_dma source(%arg12 : memref<640x16xf32, #tpu.memory_space<vmem>>) target(%dma_start3A_60 : memref<640x16xf32, #tpu.memory_space<vmem_shared>>) target_semaphore(%run_scoped3A : memref<!tpu.dma_semaphore, #tpu.memory_space<semaphore_mem>>)
      %dma_wait3A = arith.constant 0 : i32
      %dma_wait3A_61 = tpu.memref_slice %arg16[%mul3A_0, %dma_wait3A] : memref<10240x16xf32, #tpu.memory_space<vmem_shared>> -> memref<640x16xf32, #tpu.memory_space<vmem_shared>>
      %dma_wait3A_62 = arith.constant 0 : i32
      %dma_wait3A_63 = tpu.memref_slice %arg16[%mul3A_0, %dma_wait3A_62] : memref<10240x16xf32, #tpu.memory_space<vmem_shared>> -> memref<640x16xf32, #tpu.memory_space<vmem_shared>>
      tpu.wait_dma2 semaphore(%run_scoped3A : memref<!tpu.dma_semaphore, #tpu.memory_space<semaphore_mem>>) src(%arg12 : memref<640x16xf32, #tpu.memory_space<vmem>>) dst(%dma_wait3A_63 : memref<640x16xf32, #tpu.memory_space<vmem_shared>>)
      tpu.yield
    }) : () -> ()
    "tpu.region"() ({
      %run_scoped3A = tpu.sem_alloc : memref<!tpu.dma_semaphore, #tpu.memory_space<semaphore_mem>>
      %dma_start3A_57 = arith.constant 0 : i32
      %dma_start3A_58 = tpu.memref_slice %arg17[%mul3A_0, %dma_start3A_57] : memref<10240x16xf32, #tpu.memory_space<vmem_shared>> -> memref<640x16xf32, #tpu.memory_space<vmem_shared>>
      tpu.enqueue_dma source(%arg6 : memref<640x16xf32, #tpu.memory_space<hbm>>) target(%dma_start3A_58 : memref<640x16xf32, #tpu.memory_space<vmem_shared>>) target_semaphore(%run_scoped3A : memref<!tpu.dma_semaphore, #tpu.memory_space<semaphore_mem>>)
      %dma_wait3A = arith.constant 0 : i32
      %dma_wait3A_59 = tpu.memref_slice %arg17[%mul3A_0, %dma_wait3A] : memref<10240x16xf32, #tpu.memory_space<vmem_shared>> -> memref<640x16xf32, #tpu.memory_space<vmem_shared>>
      tpu.wait_dma2 semaphore(%run_scoped3A : memref<!tpu.dma_semaphore, #tpu.memory_space<semaphore_mem>>) src(%arg6 : memref<640x16xf32, #tpu.memory_space<hbm>>) dst(%dma_wait3A_59 : memref<640x16xf32, #tpu.memory_space<vmem_shared>>)
      tpu.yield
    }) : () -> ()
    %barrier3A_16 = arith.constant 0 : index
    tpu.barrier barrier_id(%barrier3A_16)
    %dma_start3A = arith.constant 0 : i32
    %dma_start3A_17 = arith.constant 0 : i32
    %dma_start3A_18 = arith.constant 0 : i32
    %dma_start3A_19 = tpu.memref_slice %arg8[%dma_start3A, %dma_start3A_17, %dma_start3A_18] : memref<20x1x512xi32, #tpu.memory_space<vmem>> -> memref<1x1x512xi32, #tpu.memory_space<vmem>>
    %dma_start3A_20 = tpu.memref_squeeze %dma_start3A_19 : memref<1x1x512xi32, #tpu.memory_space<vmem>> -> memref<512xi32, #tpu.memory_space<vmem>>
    %dma_start3A_21 = arith.constant 0 : i32
    %dma_start3A_22 = arith.constant 0 : i32
    %dma_start3A_23 = tpu.memref_slice %arg16[%dma_start3A_21, %dma_start3A_22] : memref<10240x16xf32, #tpu.memory_space<vmem_shared>> -> memref<10240x16xf32, #tpu.memory_space<vmem_shared>>
    tpu.enqueue_indirect_dma source(%dma_start3A_23 : memref<10240x16xf32, #tpu.memory_space<vmem_shared>>) target(%arg10 : memref<512x16xf32, #tpu.memory_space<vmem>>) offsets(%dma_start3A_20 : memref<512xi32, #tpu.memory_space<vmem>>) semaphore(%arg19 : memref<!tpu.dma_semaphore, #tpu.memory_space<semaphore_mem>>)
    %scan3A_24 = arith.constant 0 : i32
    %scan3A_25 = arith.constant 10 : i32
    %scan3A_26 = arith.addi %scan3A_24, %scan3A_25 : i32
    %scan3A_27 = arith.constant 1 : i32
    scf.for %scan3A_57 = %scan3A_24 to %scan3A_26 step %scan3A_27  : i32 {
      %mul3A_58 = arith.constant 1 : i32
      %mul3A_59 = arith.muli %scan3A_57, %mul3A_58 : i32
      %add3A = arith.constant 0 : i32
      %add3A_60 = arith.addi %add3A, %mul3A_59 : i32
      %mul3A_61 = arith.constant 2 : i32
      %mul3A_62 = arith.muli %mul3A_61, %add3A_60 : i32
      %add3A_63 = arith.constant 1 : i32
      %add3A_64 = arith.addi %mul3A_62, %add3A_63 : i32
      %dma_start3A_65 = arith.constant 0 : i32
      %dma_start3A_66 = arith.constant 0 : i32
      %dma_start3A_67 = tpu.memref_slice %arg8[%add3A_64, %dma_start3A_65, %dma_start3A_66] : memref<20x1x512xi32, #tpu.memory_space<vmem>> -> memref<1x1x512xi32, #tpu.memory_space<vmem>>
      %dma_start3A_68 = tpu.memref_squeeze %dma_start3A_67 : memref<1x1x512xi32, #tpu.memory_space<vmem>> -> memref<512xi32, #tpu.memory_space<vmem>>
      %dma_start3A_69 = arith.constant 0 : i32
      %dma_start3A_70 = arith.constant 0 : i32
      %dma_start3A_71 = tpu.memref_slice %arg16[%dma_start3A_69, %dma_start3A_70] : memref<10240x16xf32, #tpu.memory_space<vmem_shared>> -> memref<10240x16xf32, #tpu.memory_space<vmem_shared>>
      tpu.enqueue_indirect_dma source(%dma_start3A_71 : memref<10240x16xf32, #tpu.memory_space<vmem_shared>>) target(%arg11 : memref<512x16xf32, #tpu.memory_space<vmem>>) offsets(%dma_start3A_68 : memref<512xi32, #tpu.memory_space<vmem>>) semaphore(%arg20 : memref<!tpu.dma_semaphore, #tpu.memory_space<semaphore_mem>>)
      %dma_wait3A = arith.constant 0 : i32
      %dma_wait3A_72 = arith.constant 0 : i32
      %dma_wait3A_73 = tpu.memref_slice %arg8[%mul3A_62, %dma_wait3A, %dma_wait3A_72] : memref<20x1x512xi32, #tpu.memory_space<vmem>> -> memref<1x1x512xi32, #tpu.memory_space<vmem>>
      %dma_wait3A_74 = tpu.memref_squeeze %dma_wait3A_73 : memref<1x1x512xi32, #tpu.memory_space<vmem>> -> memref<512xi32, #tpu.memory_space<vmem>>
      %dma_wait3A_75 = arith.constant 0 : i32
      %dma_wait3A_76 = arith.constant 0 : i32
      %dma_wait3A_77 = tpu.memref_slice %arg16[%dma_wait3A_75, %dma_wait3A_76] : memref<10240x16xf32, #tpu.memory_space<vmem_shared>> -> memref<10240x16xf32, #tpu.memory_space<vmem_shared>>
      tpu.wait_indirect_dma semaphore(%arg19 : memref<!tpu.dma_semaphore, #tpu.memory_space<semaphore_mem>>) src(%dma_wait3A_77 : memref<10240x16xf32, #tpu.memory_space<vmem_shared>>) dst(%arg10 : memref<512x16xf32, #tpu.memory_space<vmem>>)
      %run_scoped3A = arith.constant 0 : i32
      "tpu.region"() ({
        %run_scoped3A_94 = tpu.sem_alloc : memref<!tpu.dma_semaphore, #tpu.memory_space<semaphore_mem>>
        %dma_start3A_95 = arith.constant 0 : i32
        %dma_start3A_96 = tpu.memref_slice %arg9[%mul3A_62, %run_scoped3A, %dma_start3A_95] : memref<20x1x512xi32, #tpu.memory_space<vmem>> -> memref<1x1x512xi32, #tpu.memory_space<vmem>>
        %dma_start3A_97 = tpu.memref_squeeze %dma_start3A_96 : memref<1x1x512xi32, #tpu.memory_space<vmem>> -> memref<512xi32, #tpu.memory_space<vmem>>
        %dma_start3A_98 = arith.constant 0 : i32
        %dma_start3A_99 = arith.constant 0 : i32
        %dma_start3A_100 = tpu.memref_slice %arg18[%dma_start3A_98, %dma_start3A_99] : memref<10240x16xf32, #tpu.memory_space<vmem_shared>> -> memref<10240x16xf32, #tpu.memory_space<vmem_shared>>
        tpu.enqueue_indirect_dma source(%arg10 : memref<512x16xf32, #tpu.memory_space<vmem>>) target(%dma_start3A_100 : memref<10240x16xf32, #tpu.memory_space<vmem_shared>>) offsets(%dma_start3A_97 : memref<512xi32, #tpu.memory_space<vmem>>) semaphore(%run_scoped3A_94 : memref<!tpu.dma_semaphore, #tpu.memory_space<semaphore_mem>>) {add = true}
        %dma_wait3A_101 = arith.constant 0 : i32
        %dma_wait3A_102 = tpu.memref_slice %arg9[%mul3A_62, %run_scoped3A, %dma_wait3A_101] : memref<20x1x512xi32, #tpu.memory_space<vmem>> -> memref<1x1x512xi32, #tpu.memory_space<vmem>>
        %dma_wait3A_103 = tpu.memref_squeeze %dma_wait3A_102 : memref<1x1x512xi32, #tpu.memory_space<vmem>> -> memref<512xi32, #tpu.memory_space<vmem>>
        %dma_wait3A_104 = arith.constant 0 : i32
        %dma_wait3A_105 = arith.constant 0 : i32
        %dma_wait3A_106 = tpu.memref_slice %arg18[%dma_wait3A_104, %dma_wait3A_105] : memref<10240x16xf32, #tpu.memory_space<vmem_shared>> -> memref<10240x16xf32, #tpu.memory_space<vmem_shared>>
        tpu.wait_indirect_dma semaphore(%run_scoped3A_94 : memref<!tpu.dma_semaphore, #tpu.memory_space<semaphore_mem>>) src(%arg10 : memref<512x16xf32, #tpu.memory_space<vmem>>) dst(%dma_wait3A_106 : memref<10240x16xf32, #tpu.memory_space<vmem_shared>>)
        tpu.yield
      }) : () -> ()
      %add3A_78 = arith.constant 1 : i32
      %add3A_79 = arith.addi %add3A_60, %add3A_78 : i32
      %lt3A = arith.constant 10 : i32
      %lt3A_80 = arith.cmpi slt, %add3A_79, %lt3A : i32
      %convert_element_type3A = arith.extui %lt3A_80 : i1 to i32
      %cond3A = arith.constant 0 : i32
      %cond3A_81 = arith.cmpi ne, %convert_element_type3A, %cond3A : i32
      scf.if %cond3A_81 {
        %add3A_94 = arith.constant 2 : i32
        %add3A_95 = arith.addi %mul3A_62, %add3A_94 : i32
        %dma_start3A_96 = arith.constant 0 : i32
        %dma_start3A_97 = arith.constant 0 : i32
        %dma_start3A_98 = tpu.memref_slice %arg8[%add3A_95, %dma_start3A_96, %dma_start3A_97] : memref<20x1x512xi32, #tpu.memory_space<vmem>> -> memref<1x1x512xi32, #tpu.memory_space<vmem>>
        %dma_start3A_99 = tpu.memref_squeeze %dma_start3A_98 : memref<1x1x512xi32, #tpu.memory_space<vmem>> -> memref<512xi32, #tpu.memory_space<vmem>>
        %dma_start3A_100 = arith.constant 0 : i32
        %dma_start3A_101 = arith.constant 0 : i32
        %dma_start3A_102 = tpu.memref_slice %arg16[%dma_start3A_100, %dma_start3A_101] : memref<10240x16xf32, #tpu.memory_space<vmem_shared>> -> memref<10240x16xf32, #tpu.memory_space<vmem_shared>>
        tpu.enqueue_indirect_dma source(%dma_start3A_102 : memref<10240x16xf32, #tpu.memory_space<vmem_shared>>) target(%arg10 : memref<512x16xf32, #tpu.memory_space<vmem>>) offsets(%dma_start3A_99 : memref<512xi32, #tpu.memory_space<vmem>>) semaphore(%arg19 : memref<!tpu.dma_semaphore, #tpu.memory_space<semaphore_mem>>)
      } else {
      }
      %add3A_82 = arith.constant 1 : i32
      %add3A_83 = arith.addi %mul3A_62, %add3A_82 : i32
      %dma_wait3A_84 = arith.constant 0 : i32
      %dma_wait3A_85 = arith.constant 0 : i32
      %dma_wait3A_86 = tpu.memref_slice %arg8[%add3A_83, %dma_wait3A_84, %dma_wait3A_85] : memref<20x1x512xi32, #tpu.memory_space<vmem>> -> memref<1x1x512xi32, #tpu.memory_space<vmem>>
      %dma_wait3A_87 = tpu.memref_squeeze %dma_wait3A_86 : memref<1x1x512xi32, #tpu.memory_space<vmem>> -> memref<512xi32, #tpu.memory_space<vmem>>
      %dma_wait3A_88 = arith.constant 0 : i32
      %dma_wait3A_89 = arith.constant 0 : i32
      %dma_wait3A_90 = tpu.memref_slice %arg16[%dma_wait3A_88, %dma_wait3A_89] : memref<10240x16xf32, #tpu.memory_space<vmem_shared>> -> memref<10240x16xf32, #tpu.memory_space<vmem_shared>>
      tpu.wait_indirect_dma semaphore(%arg20 : memref<!tpu.dma_semaphore, #tpu.memory_space<semaphore_mem>>) src(%dma_wait3A_90 : memref<10240x16xf32, #tpu.memory_space<vmem_shared>>) dst(%arg11 : memref<512x16xf32, #tpu.memory_space<vmem>>)
      %add3A_91 = arith.constant 1 : i32
      %add3A_92 = arith.addi %mul3A_62, %add3A_91 : i32
      %run_scoped3A_93 = arith.constant 0 : i32
      "tpu.region"() ({
        %run_scoped3A_94 = tpu.sem_alloc : memref<!tpu.dma_semaphore, #tpu.memory_space<semaphore_mem>>
        %dma_start3A_95 = arith.constant 0 : i32
        %dma_start3A_96 = tpu.memref_slice %arg9[%add3A_92, %run_scoped3A_93, %dma_start3A_95] : memref<20x1x512xi32, #tpu.memory_space<vmem>> -> memref<1x1x512xi32, #tpu.memory_space<vmem>>
        %dma_start3A_97 = tpu.memref_squeeze %dma_start3A_96 : memref<1x1x512xi32, #tpu.memory_space<vmem>> -> memref<512xi32, #tpu.memory_space<vmem>>
        %dma_start3A_98 = arith.constant 0 : i32
        %dma_start3A_99 = arith.constant 0 : i32
        %dma_start3A_100 = tpu.memref_slice %arg18[%dma_start3A_98, %dma_start3A_99] : memref<10240x16xf32, #tpu.memory_space<vmem_shared>> -> memref<10240x16xf32, #tpu.memory_space<vmem_shared>>
        tpu.enqueue_indirect_dma source(%arg11 : memref<512x16xf32, #tpu.memory_space<vmem>>) target(%dma_start3A_100 : memref<10240x16xf32, #tpu.memory_space<vmem_shared>>) offsets(%dma_start3A_97 : memref<512xi32, #tpu.memory_space<vmem>>) semaphore(%run_scoped3A_94 : memref<!tpu.dma_semaphore, #tpu.memory_space<semaphore_mem>>) {add = true}
        %dma_wait3A_101 = arith.constant 0 : i32
        %dma_wait3A_102 = tpu.memref_slice %arg9[%add3A_92, %run_scoped3A_93, %dma_wait3A_101] : memref<20x1x512xi32, #tpu.memory_space<vmem>> -> memref<1x1x512xi32, #tpu.memory_space<vmem>>
        %dma_wait3A_103 = tpu.memref_squeeze %dma_wait3A_102 : memref<1x1x512xi32, #tpu.memory_space<vmem>> -> memref<512xi32, #tpu.memory_space<vmem>>
        %dma_wait3A_104 = arith.constant 0 : i32
        %dma_wait3A_105 = arith.constant 0 : i32
        %dma_wait3A_106 = tpu.memref_slice %arg18[%dma_wait3A_104, %dma_wait3A_105] : memref<10240x16xf32, #tpu.memory_space<vmem_shared>> -> memref<10240x16xf32, #tpu.memory_space<vmem_shared>>
        tpu.wait_indirect_dma semaphore(%run_scoped3A_94 : memref<!tpu.dma_semaphore, #tpu.memory_space<semaphore_mem>>) src(%arg11 : memref<512x16xf32, #tpu.memory_space<vmem>>) dst(%dma_wait3A_106 : memref<10240x16xf32, #tpu.memory_space<vmem_shared>>)
        tpu.yield
      }) : () -> ()
    }
    %scan3A_28 = arith.constant 10 : i32
    %barrier3A_29 = arith.constant 0 : index
    tpu.barrier barrier_id(%barrier3A_29)
    "tpu.region"() ({
      %run_scoped3A = tpu.sem_alloc : memref<!tpu.dma_semaphore, #tpu.memory_space<semaphore_mem>>
      %dma_start3A_57 = arith.constant 0 : i32
      %dma_start3A_58 = tpu.memref_slice %arg18[%mul3A_0, %dma_start3A_57] : memref<10240x16xf32, #tpu.memory_space<vmem_shared>> -> memref<640x16xf32, #tpu.memory_space<vmem_shared>>
      %dma_start3A_59 = arith.constant 0 : i32
      %dma_start3A_60 = tpu.memref_slice %arg18[%mul3A_0, %dma_start3A_59] : memref<10240x16xf32, #tpu.memory_space<vmem_shared>> -> memref<640x16xf32, #tpu.memory_space<vmem_shared>>
      tpu.enqueue_dma source(%dma_start3A_60 : memref<640x16xf32, #tpu.memory_space<vmem_shared>>) target(%arg14 : memref<640x16xf32, #tpu.memory_space<vmem>>) target_semaphore(%run_scoped3A : memref<!tpu.dma_semaphore, #tpu.memory_space<semaphore_mem>>)
      %dma_wait3A = arith.constant 0 : i32
      %dma_wait3A_61 = tpu.memref_slice %arg18[%mul3A_0, %dma_wait3A] : memref<10240x16xf32, #tpu.memory_space<vmem_shared>> -> memref<640x16xf32, #tpu.memory_space<vmem_shared>>
      %dma_wait3A_62 = arith.constant 0 : i32
      %dma_wait3A_63 = tpu.memref_slice %arg18[%mul3A_0, %dma_wait3A_62] : memref<10240x16xf32, #tpu.memory_space<vmem_shared>> -> memref<640x16xf32, #tpu.memory_space<vmem_shared>>
      tpu.wait_dma2 semaphore(%run_scoped3A : memref<!tpu.dma_semaphore, #tpu.memory_space<semaphore_mem>>) src(%dma_wait3A_63 : memref<640x16xf32, #tpu.memory_space<vmem_shared>>) dst(%arg14 : memref<640x16xf32, #tpu.memory_space<vmem>>)
      tpu.yield
    }) : () -> ()
    %scan3A_30 = arith.constant 0 : i32
    %scan3A_31 = arith.constant 640 : i32
    %scan3A_32 = arith.addi %scan3A_30, %scan3A_31 : i32
    %scan3A_33 = arith.constant 1 : i32
    scf.for %scan3A_57 = %scan3A_30 to %scan3A_32 step %scan3A_33  : i32 {
      %mul3A_58 = arith.constant 1 : i32
      %mul3A_59 = arith.muli %scan3A_57, %mul3A_58 : i32
      %add3A = arith.constant 0 : i32
      %add3A_60 = arith.addi %add3A, %mul3A_59 : i32
      %get3A = arith.index_cast %add3A_60 : i32 to index
      %get3A_61 = arith.constant 0 : index
      %get3A_62 = tpu.vector_load %arg13[%get3A, %get3A_61] {strides = array<i32>} : memref<640x16xf32, #tpu.memory_space<vmem>>, vector<16xf32>,
      %get3A_63 = arith.index_cast %add3A_60 : i32 to index
      %get3A_64 = arith.constant 0 : index
      %get3A_65 = tpu.vector_load %arg14[%get3A_63, %get3A_64] {strides = array<i32>} : memref<640x16xf32, #tpu.memory_space<vmem>>, vector<16xf32>,
      %get3A_66 = arith.index_cast %add3A_60 : i32 to index
      %get3A_67 = arith.constant 0 : index
      %get3A_68 = tpu.vector_load %arg12[%get3A_66, %get3A_67] {strides = array<i32>} : memref<640x16xf32, #tpu.memory_space<vmem>>, vector<16xf32>,
      %add3A_69 = arith.addf %get3A_65, %get3A_68 : vector<16xf32>
      %mul3A_70 = arith.mulf %get3A_62, %add3A_69 : vector<16xf32>
      %swap3A = arith.index_cast %add3A_60 : i32 to index
      %swap3A_71 = arith.constant 0 : index
      %swap3A_72 = tpu.vector_load %arg14[%swap3A, %swap3A_71] {strides = array<i32>} : memref<640x16xf32, #tpu.memory_space<vmem>>, vector<16xf32>,
      tpu.vector_store %arg14[%swap3A, %swap3A_71], %mul3A_70 {strides = array<i32>} : memref<640x16xf32, #tpu.memory_space<vmem>>, vector<16xf32>,
      %get3A_73 = arith.index_cast %add3A_60 : i32 to index
      %get3A_74 = arith.constant 0 : index
      %get3A_75 = tpu.vector_load %arg13[%get3A_73, %get3A_74] {strides = array<i32>} : memref<640x16xf32, #tpu.memory_space<vmem>>, vector<16xf32>,
      %mul3A_76 = arith.mulf %get3A_75, %mul3A_70 : vector<16xf32>
      %swap3A_77 = arith.index_cast %add3A_60 : i32 to index
      %swap3A_78 = arith.constant 0 : index
      %swap3A_79 = tpu.vector_load %arg15[%swap3A_77, %swap3A_78] {strides = array<i32>} : memref<640x16xf32, #tpu.memory_space<vmem>>, vector<16xf32>,
      tpu.vector_store %arg15[%swap3A_77, %swap3A_78], %mul3A_76 {strides = array<i32>} : memref<640x16xf32, #tpu.memory_space<vmem>>, vector<16xf32>,
    }
    %scan3A_34 = arith.constant 640 : i32
    "tpu.region"() ({
      %run_scoped3A = tpu.sem_alloc : memref<!tpu.dma_semaphore, #tpu.memory_space<semaphore_mem>>
      %dma_start3A_57 = arith.constant 0 : i32
      %dma_start3A_58 = tpu.memref_slice %arg16[%mul3A_0, %dma_start3A_57] : memref<10240x16xf32, #tpu.memory_space<vmem_shared>> -> memref<640x16xf32, #tpu.memory_space<vmem_shared>>
      %dma_start3A_59 = arith.constant 0 : i32
      %dma_start3A_60 = tpu.memref_slice %arg16[%mul3A_0, %dma_start3A_59] : memref<10240x16xf32, #tpu.memory_space<vmem_shared>> -> memref<640x16xf32, #tpu.memory_space<vmem_shared>>
      tpu.enqueue_dma source(%arg15 : memref<640x16xf32, #tpu.memory_space<vmem>>) target(%dma_start3A_60 : memref<640x16xf32, #tpu.memory_space<vmem_shared>>) target_semaphore(%run_scoped3A : memref<!tpu.dma_semaphore, #tpu.memory_space<semaphore_mem>>)
      %dma_wait3A = arith.constant 0 : i32
      %dma_wait3A_61 = tpu.memref_slice %arg16[%mul3A_0, %dma_wait3A] : memref<10240x16xf32, #tpu.memory_space<vmem_shared>> -> memref<640x16xf32, #tpu.memory_space<vmem_shared>>
      %dma_wait3A_62 = arith.constant 0 : i32
      %dma_wait3A_63 = tpu.memref_slice %arg16[%mul3A_0, %dma_wait3A_62] : memref<10240x16xf32, #tpu.memory_space<vmem_shared>> -> memref<640x16xf32, #tpu.memory_space<vmem_shared>>
      tpu.wait_dma2 semaphore(%run_scoped3A : memref<!tpu.dma_semaphore, #tpu.memory_space<semaphore_mem>>) src(%arg15 : memref<640x16xf32, #tpu.memory_space<vmem>>) dst(%dma_wait3A_63 : memref<640x16xf32, #tpu.memory_space<vmem_shared>>)
      tpu.yield
    }) : () -> ()
    %barrier3A_35 = arith.constant 0 : index
    tpu.barrier barrier_id(%barrier3A_35)
    %dma_start3A_36 = arith.constant 0 : i32
    %dma_start3A_37 = arith.constant 0 : i32
    %dma_start3A_38 = arith.constant 0 : i32
    %dma_start3A_39 = tpu.memref_slice %arg8[%dma_start3A_36, %dma_start3A_37, %dma_start3A_38] : memref<20x1x512xi32, #tpu.memory_space<vmem>> -> memref<1x1x512xi32, #tpu.memory_space<vmem>>
    %dma_start3A_40 = tpu.memref_squeeze %dma_start3A_39 : memref<1x1x512xi32, #tpu.memory_space<vmem>> -> memref<512xi32, #tpu.memory_space<vmem>>
    %dma_start3A_41 = arith.constant 0 : i32
    %dma_start3A_42 = arith.constant 0 : i32
    %dma_start3A_43 = tpu.memref_slice %arg16[%dma_start3A_41, %dma_start3A_42] : memref<10240x16xf32, #tpu.memory_space<vmem_shared>> -> memref<10240x16xf32, #tpu.memory_space<vmem_shared>>
    tpu.enqueue_indirect_dma source(%dma_start3A_43 : memref<10240x16xf32, #tpu.memory_space<vmem_shared>>) target(%arg10 : memref<512x16xf32, #tpu.memory_space<vmem>>) offsets(%dma_start3A_40 : memref<512xi32, #tpu.memory_space<vmem>>) semaphore(%arg19 : memref<!tpu.dma_semaphore, #tpu.memory_space<semaphore_mem>>)
    %scan3A_44 = arith.constant 0 : i32
    %scan3A_45 = arith.constant 10 : i32
    %scan3A_46 = arith.addi %scan3A_44, %scan3A_45 : i32
    %scan3A_47 = arith.constant 1 : i32
    scf.for %scan3A_57 = %scan3A_44 to %scan3A_46 step %scan3A_47  : i32 {
      %mul3A_58 = arith.constant 1 : i32
      %mul3A_59 = arith.muli %scan3A_57, %mul3A_58 : i32
      %add3A = arith.constant 0 : i32
      %add3A_60 = arith.addi %add3A, %mul3A_59 : i32
      %mul3A_61 = arith.constant 2 : i32
      %mul3A_62 = arith.muli %mul3A_61, %add3A_60 : i32
      %add3A_63 = arith.constant 1 : i32
      %add3A_64 = arith.addi %mul3A_62, %add3A_63 : i32
      %dma_start3A_65 = arith.constant 0 : i32
      %dma_start3A_66 = arith.constant 0 : i32
      %dma_start3A_67 = tpu.memref_slice %arg8[%add3A_64, %dma_start3A_65, %dma_start3A_66] : memref<20x1x512xi32, #tpu.memory_space<vmem>> -> memref<1x1x512xi32, #tpu.memory_space<vmem>>
      %dma_start3A_68 = tpu.memref_squeeze %dma_start3A_67 : memref<1x1x512xi32, #tpu.memory_space<vmem>> -> memref<512xi32, #tpu.memory_space<vmem>>
      %dma_start3A_69 = arith.constant 0 : i32
      %dma_start3A_70 = arith.constant 0 : i32
      %dma_start3A_71 = tpu.memref_slice %arg16[%dma_start3A_69, %dma_start3A_70] : memref<10240x16xf32, #tpu.memory_space<vmem_shared>> -> memref<10240x16xf32, #tpu.memory_space<vmem_shared>>
      tpu.enqueue_indirect_dma source(%dma_start3A_71 : memref<10240x16xf32, #tpu.memory_space<vmem_shared>>) target(%arg11 : memref<512x16xf32, #tpu.memory_space<vmem>>) offsets(%dma_start3A_68 : memref<512xi32, #tpu.memory_space<vmem>>) semaphore(%arg20 : memref<!tpu.dma_semaphore, #tpu.memory_space<semaphore_mem>>)
      %dma_wait3A = arith.constant 0 : i32
      %dma_wait3A_72 = arith.constant 0 : i32
      %dma_wait3A_73 = tpu.memref_slice %arg8[%mul3A_62, %dma_wait3A, %dma_wait3A_72] : memref<20x1x512xi32, #tpu.memory_space<vmem>> -> memref<1x1x512xi32, #tpu.memory_space<vmem>>
      %dma_wait3A_74 = tpu.memref_squeeze %dma_wait3A_73 : memref<1x1x512xi32, #tpu.memory_space<vmem>> -> memref<512xi32, #tpu.memory_space<vmem>>
      %dma_wait3A_75 = arith.constant 0 : i32
      %dma_wait3A_76 = arith.constant 0 : i32
      %dma_wait3A_77 = tpu.memref_slice %arg16[%dma_wait3A_75, %dma_wait3A_76] : memref<10240x16xf32, #tpu.memory_space<vmem_shared>> -> memref<10240x16xf32, #tpu.memory_space<vmem_shared>>
      tpu.wait_indirect_dma semaphore(%arg19 : memref<!tpu.dma_semaphore, #tpu.memory_space<semaphore_mem>>) src(%dma_wait3A_77 : memref<10240x16xf32, #tpu.memory_space<vmem_shared>>) dst(%arg10 : memref<512x16xf32, #tpu.memory_space<vmem>>)
      %run_scoped3A = arith.constant 0 : i32
      "tpu.region"() ({
        %run_scoped3A_94 = tpu.sem_alloc : memref<!tpu.dma_semaphore, #tpu.memory_space<semaphore_mem>>
        %dma_start3A_95 = arith.constant 0 : i32
        %dma_start3A_96 = tpu.memref_slice %arg9[%mul3A_62, %run_scoped3A, %dma_start3A_95] : memref<20x1x512xi32, #tpu.memory_space<vmem>> -> memref<1x1x512xi32, #tpu.memory_space<vmem>>
        %dma_start3A_97 = tpu.memref_squeeze %dma_start3A_96 : memref<1x1x512xi32, #tpu.memory_space<vmem>> -> memref<512xi32, #tpu.memory_space<vmem>>
        %dma_start3A_98 = arith.constant 0 : i32
        %dma_start3A_99 = arith.constant 0 : i32
        %dma_start3A_100 = tpu.memref_slice %arg17[%dma_start3A_98, %dma_start3A_99] : memref<10240x16xf32, #tpu.memory_space<vmem_shared>> -> memref<10240x16xf32, #tpu.memory_space<vmem_shared>>
        tpu.enqueue_indirect_dma source(%arg10 : memref<512x16xf32, #tpu.memory_space<vmem>>) target(%dma_start3A_100 : memref<10240x16xf32, #tpu.memory_space<vmem_shared>>) offsets(%dma_start3A_97 : memref<512xi32, #tpu.memory_space<vmem>>) semaphore(%run_scoped3A_94 : memref<!tpu.dma_semaphore, #tpu.memory_space<semaphore_mem>>) {add = true}
        %dma_wait3A_101 = arith.constant 0 : i32
        %dma_wait3A_102 = tpu.memref_slice %arg9[%mul3A_62, %run_scoped3A, %dma_wait3A_101] : memref<20x1x512xi32, #tpu.memory_space<vmem>> -> memref<1x1x512xi32, #tpu.memory_space<vmem>>
        %dma_wait3A_103 = tpu.memref_squeeze %dma_wait3A_102 : memref<1x1x512xi32, #tpu.memory_space<vmem>> -> memref<512xi32, #tpu.memory_space<vmem>>
        %dma_wait3A_104 = arith.constant 0 : i32
        %dma_wait3A_105 = arith.constant 0 : i32
        %dma_wait3A_106 = tpu.memref_slice %arg17[%dma_wait3A_104, %dma_wait3A_105] : memref<10240x16xf32, #tpu.memory_space<vmem_shared>> -> memref<10240x16xf32, #tpu.memory_space<vmem_shared>>
        tpu.wait_indirect_dma semaphore(%run_scoped3A_94 : memref<!tpu.dma_semaphore, #tpu.memory_space<semaphore_mem>>) src(%arg10 : memref<512x16xf32, #tpu.memory_space<vmem>>) dst(%dma_wait3A_106 : memref<10240x16xf32, #tpu.memory_space<vmem_shared>>)
        tpu.yield
      }) : () -> ()
      %add3A_78 = arith.constant 1 : i32
      %add3A_79 = arith.addi %add3A_60, %add3A_78 : i32
      %lt3A = arith.constant 10 : i32
      %lt3A_80 = arith.cmpi slt, %add3A_79, %lt3A : i32
      %convert_element_type3A = arith.extui %lt3A_80 : i1 to i32
      %cond3A = arith.constant 0 : i32
      %cond3A_81 = arith.cmpi ne, %convert_element_type3A, %cond3A : i32
      scf.if %cond3A_81 {
        %add3A_94 = arith.constant 2 : i32
        %add3A_95 = arith.addi %mul3A_62, %add3A_94 : i32
        %dma_start3A_96 = arith.constant 0 : i32
        %dma_start3A_97 = arith.constant 0 : i32
        %dma_start3A_98 = tpu.memref_slice %arg8[%add3A_95, %dma_start3A_96, %dma_start3A_97] : memref<20x1x512xi32, #tpu.memory_space<vmem>> -> memref<1x1x512xi32, #tpu.memory_space<vmem>>
        %dma_start3A_99 = tpu.memref_squeeze %dma_start3A_98 : memref<1x1x512xi32, #tpu.memory_space<vmem>> -> memref<512xi32, #tpu.memory_space<vmem>>
        %dma_start3A_100 = arith.constant 0 : i32
        %dma_start3A_101 = arith.constant 0 : i32
        %dma_start3A_102 = tpu.memref_slice %arg16[%dma_start3A_100, %dma_start3A_101] : memref<10240x16xf32, #tpu.memory_space<vmem_shared>> -> memref<10240x16xf32, #tpu.memory_space<vmem_shared>>
        tpu.enqueue_indirect_dma source(%dma_start3A_102 : memref<10240x16xf32, #tpu.memory_space<vmem_shared>>) target(%arg10 : memref<512x16xf32, #tpu.memory_space<vmem>>) offsets(%dma_start3A_99 : memref<512xi32, #tpu.memory_space<vmem>>) semaphore(%arg19 : memref<!tpu.dma_semaphore, #tpu.memory_space<semaphore_mem>>)
      } else {
      }
      %add3A_82 = arith.constant 1 : i32
      %add3A_83 = arith.addi %mul3A_62, %add3A_82 : i32
      %dma_wait3A_84 = arith.constant 0 : i32
      %dma_wait3A_85 = arith.constant 0 : i32
      %dma_wait3A_86 = tpu.memref_slice %arg8[%add3A_83, %dma_wait3A_84, %dma_wait3A_85] : memref<20x1x512xi32, #tpu.memory_space<vmem>> -> memref<1x1x512xi32, #tpu.memory_space<vmem>>
      %dma_wait3A_87 = tpu.memref_squeeze %dma_wait3A_86 : memref<1x1x512xi32, #tpu.memory_space<vmem>> -> memref<512xi32, #tpu.memory_space<vmem>>
      %dma_wait3A_88 = arith.constant 0 : i32
      %dma_wait3A_89 = arith.constant 0 : i32
      %dma_wait3A_90 = tpu.memref_slice %arg16[%dma_wait3A_88, %dma_wait3A_89] : memref<10240x16xf32, #tpu.memory_space<vmem_shared>> -> memref<10240x16xf32, #tpu.memory_space<vmem_shared>>
      tpu.wait_indirect_dma semaphore(%arg20 : memref<!tpu.dma_semaphore, #tpu.memory_space<semaphore_mem>>) src(%dma_wait3A_90 : memref<10240x16xf32, #tpu.memory_space<vmem_shared>>) dst(%arg11 : memref<512x16xf32, #tpu.memory_space<vmem>>)
      %add3A_91 = arith.constant 1 : i32
      %add3A_92 = arith.addi %mul3A_62, %add3A_91 : i32
      %run_scoped3A_93 = arith.constant 0 : i32
      "tpu.region"() ({
        %run_scoped3A_94 = tpu.sem_alloc : memref<!tpu.dma_semaphore, #tpu.memory_space<semaphore_mem>>
        %dma_start3A_95 = arith.constant 0 : i32
        %dma_start3A_96 = tpu.memref_slice %arg9[%add3A_92, %run_scoped3A_93, %dma_start3A_95] : memref<20x1x512xi32, #tpu.memory_space<vmem>> -> memref<1x1x512xi32, #tpu.memory_space<vmem>>
        %dma_start3A_97 = tpu.memref_squeeze %dma_start3A_96 : memref<1x1x512xi32, #tpu.memory_space<vmem>> -> memref<512xi32, #tpu.memory_space<vmem>>
        %dma_start3A_98 = arith.constant 0 : i32
        %dma_start3A_99 = arith.constant 0 : i32
        %dma_start3A_100 = tpu.memref_slice %arg17[%dma_start3A_98, %dma_start3A_99] : memref<10240x16xf32, #tpu.memory_space<vmem_shared>> -> memref<10240x16xf32, #tpu.memory_space<vmem_shared>>
        tpu.enqueue_indirect_dma source(%arg11 : memref<512x16xf32, #tpu.memory_space<vmem>>) target(%dma_start3A_100 : memref<10240x16xf32, #tpu.memory_space<vmem_shared>>) offsets(%dma_start3A_97 : memref<512xi32, #tpu.memory_space<vmem>>) semaphore(%run_scoped3A_94 : memref<!tpu.dma_semaphore, #tpu.memory_space<semaphore_mem>>) {add = true}
        %dma_wait3A_101 = arith.constant 0 : i32
        %dma_wait3A_102 = tpu.memref_slice %arg9[%add3A_92, %run_scoped3A_93, %dma_wait3A_101] : memref<20x1x512xi32, #tpu.memory_space<vmem>> -> memref<1x1x512xi32, #tpu.memory_space<vmem>>
        %dma_wait3A_103 = tpu.memref_squeeze %dma_wait3A_102 : memref<1x1x512xi32, #tpu.memory_space<vmem>> -> memref<512xi32, #tpu.memory_space<vmem>>
        %dma_wait3A_104 = arith.constant 0 : i32
        %dma_wait3A_105 = arith.constant 0 : i32
        %dma_wait3A_106 = tpu.memref_slice %arg17[%dma_wait3A_104, %dma_wait3A_105] : memref<10240x16xf32, #tpu.memory_space<vmem_shared>> -> memref<10240x16xf32, #tpu.memory_space<vmem_shared>>
        tpu.wait_indirect_dma semaphore(%run_scoped3A_94 : memref<!tpu.dma_semaphore, #tpu.memory_space<semaphore_mem>>) src(%arg11 : memref<512x16xf32, #tpu.memory_space<vmem>>) dst(%dma_wait3A_106 : memref<10240x16xf32, #tpu.memory_space<vmem_shared>>)
        tpu.yield
      }) : () -> ()
    }
    %scan3A_48 = arith.constant 10 : i32
    %barrier3A_49 = arith.constant 0 : index
    tpu.barrier barrier_id(%barrier3A_49)
    "tpu.region"() ({
      %run_scoped3A = tpu.sem_alloc : memref<!tpu.dma_semaphore, #tpu.memory_space<semaphore_mem>>
      %dma_start3A_57 = arith.constant 0 : i32
      %dma_start3A_58 = tpu.memref_slice %arg17[%mul3A_0, %dma_start3A_57] : memref<10240x16xf32, #tpu.memory_space<vmem_shared>> -> memref<640x16xf32, #tpu.memory_space<vmem_shared>>
      %dma_start3A_59 = arith.constant 0 : i32
      %dma_start3A_60 = tpu.memref_slice %arg17[%mul3A_0, %dma_start3A_59] : memref<10240x16xf32, #tpu.memory_space<vmem_shared>> -> memref<640x16xf32, #tpu.memory_space<vmem_shared>>
      tpu.enqueue_dma source(%dma_start3A_60 : memref<640x16xf32, #tpu.memory_space<vmem_shared>>) target(%arg12 : memref<640x16xf32, #tpu.memory_space<vmem>>) target_semaphore(%run_scoped3A : memref<!tpu.dma_semaphore, #tpu.memory_space<semaphore_mem>>)
      %dma_wait3A = arith.constant 0 : i32
      %dma_wait3A_61 = tpu.memref_slice %arg17[%mul3A_0, %dma_wait3A] : memref<10240x16xf32, #tpu.memory_space<vmem_shared>> -> memref<640x16xf32, #tpu.memory_space<vmem_shared>>
      %dma_wait3A_62 = arith.constant 0 : i32
      %dma_wait3A_63 = tpu.memref_slice %arg17[%mul3A_0, %dma_wait3A_62] : memref<10240x16xf32, #tpu.memory_space<vmem_shared>> -> memref<640x16xf32, #tpu.memory_space<vmem_shared>>
      tpu.wait_dma2 semaphore(%run_scoped3A : memref<!tpu.dma_semaphore, #tpu.memory_space<semaphore_mem>>) src(%dma_wait3A_63 : memref<640x16xf32, #tpu.memory_space<vmem_shared>>) dst(%arg12 : memref<640x16xf32, #tpu.memory_space<vmem>>)
      tpu.yield
    }) : () -> ()
    %iota3A = tpu.iota {dimensions = array<i32: 0>} : vector<16xi32>
    %broadcast_in_dim3A_50 = arith.constant 12 : i32
    %broadcast_in_dim3A_51 = vector.broadcast %broadcast_in_dim3A_50 : i32 to vector<16xi32>
    %eq3A = arith.cmpi eq, %iota3A, %broadcast_in_dim3A_51 : vector<16xi32>
    %scan3A_52 = arith.constant 0 : i32
    %scan3A_53 = arith.constant 640 : i32
    %scan3A_54 = arith.addi %scan3A_52, %scan3A_53 : i32
    %scan3A_55 = arith.constant 1 : i32
    scf.for %scan3A_57 = %scan3A_52 to %scan3A_54 step %scan3A_55  : i32 {
      %mul3A_58 = arith.constant 1 : i32
      %mul3A_59 = arith.muli %scan3A_57, %mul3A_58 : i32
      %add3A = arith.constant 0 : i32
      %add3A_60 = arith.addi %add3A, %mul3A_59 : i32
      %get3A = arith.index_cast %add3A_60 : i32 to index
      %get3A_61 = arith.constant 0 : index
      %get3A_62 = tpu.vector_load %arg13[%get3A, %get3A_61] {strides = array<i32>} : memref<640x16xf32, #tpu.memory_space<vmem>>, vector<16xf32>,
      %get3A_63 = arith.index_cast %add3A_60 : i32 to index
      %get3A_64 = arith.constant 0 : index
      %get3A_65 = tpu.vector_load %arg12[%get3A_63, %get3A_64] {strides = array<i32>} : memref<640x16xf32, #tpu.memory_space<vmem>>, vector<16xf32>,
      %get3A_66 = arith.index_cast %add3A_60 : i32 to index
      %get3A_67 = arith.constant 0 : index
      %get3A_68 = tpu.vector_load %arg15[%get3A_66, %get3A_67] {strides = array<i32>} : memref<640x16xf32, #tpu.memory_space<vmem>>, vector<16xf32>,
      %add3A_69 = arith.addf %get3A_65, %get3A_68 : vector<16xf32>
      %mul3A_70 = arith.mulf %get3A_62, %add3A_69 : vector<16xf32>
      %get3A_71 = arith.index_cast %add3A_60 : i32 to index
      %get3A_72 = arith.constant 0 : index
      %get3A_73 = tpu.vector_load %arg14[%get3A_71, %get3A_72] {strides = array<i32>} : memref<640x16xf32, #tpu.memory_space<vmem>>, vector<16xf32>,
      %select_n3A = arith.select %eq3A, %get3A_73, %mul3A_70 : vector<16xi1>, vector<16xf32>
      %swap3A = arith.index_cast %add3A_60 : i32 to index
      %swap3A_74 = arith.constant 0 : index
      %swap3A_75 = tpu.vector_load %arg12[%swap3A, %swap3A_74] {strides = array<i32>} : memref<640x16xf32, #tpu.memory_space<vmem>>, vector<16xf32>,
      tpu.vector_store %arg12[%swap3A, %swap3A_74], %select_n3A {strides = array<i32>} : memref<640x16xf32, #tpu.memory_space<vmem>>, vector<16xf32>,
    }
    %scan3A_56 = arith.constant 640 : i32
    "tpu.region"() ({
      %run_scoped3A = tpu.sem_alloc : memref<!tpu.dma_semaphore, #tpu.memory_space<semaphore_mem>>
      %dma_start3A_57 = arith.constant 0 : i32
      %dma_start3A_58 = tpu.memref_slice %arg7[%mul3A_0, %dma_start3A_57] : memref<10240x16xf32, #tpu.memory_space<hbm>> -> memref<640x16xf32, #tpu.memory_space<hbm>>
      %dma_start3A_59 = arith.constant 0 : i32
      %dma_start3A_60 = tpu.memref_slice %arg7[%mul3A_0, %dma_start3A_59] : memref<10240x16xf32, #tpu.memory_space<hbm>> -> memref<640x16xf32, #tpu.memory_space<hbm>>
      tpu.enqueue_dma source(%arg12 : memref<640x16xf32, #tpu.memory_space<vmem>>) target(%dma_start3A_60 : memref<640x16xf32, #tpu.memory_space<hbm>>) target_semaphore(%run_scoped3A : memref<!tpu.dma_semaphore, #tpu.memory_space<semaphore_mem>>)
      %dma_wait3A = arith.constant 0 : i32
      %dma_wait3A_61 = tpu.memref_slice %arg7[%mul3A_0, %dma_wait3A] : memref<10240x16xf32, #tpu.memory_space<hbm>> -> memref<640x16xf32, #tpu.memory_space<hbm>>
      %dma_wait3A_62 = arith.constant 0 : i32
      %dma_wait3A_63 = tpu.memref_slice %arg7[%mul3A_0, %dma_wait3A_62] : memref<10240x16xf32, #tpu.memory_space<hbm>> -> memref<640x16xf32, #tpu.memory_space<hbm>>
      tpu.wait_dma2 semaphore(%run_scoped3A : memref<!tpu.dma_semaphore, #tpu.memory_space<semaphore_mem>>) src(%arg12 : memref<640x16xf32, #tpu.memory_space<vmem>>) dst(%dma_wait3A_63 : memref<640x16xf32, #tpu.memory_space<hbm>>)
      tpu.yield
    }) : () -> ()
    return
  }
}

module attributes {stable_mosaic.version = 14 : i64} {
  func.func @_head_kernel(%arg0: memref<4x128xf32, #tpu.memory_space<vmem>>, %arg1: memref<4x63xf32, #tpu.memory_space<vmem>>, %arg2: memref<1536x128xf32, #tpu.memory_space<vmem>>, %arg3: memref<1x1536xf32, #tpu.memory_space<vmem>>, %arg4: memref<1x1536xf32, #tpu.memory_space<vmem>>, %arg5: memref<512x512xf32, #tpu.memory_space<vmem>>, %arg6: memref<1x512xf32, #tpu.memory_space<vmem>>, %arg7: memref<1x512xf32, #tpu.memory_space<vmem>>, %arg8: memref<1x512xf32, #tpu.memory_space<vmem>>, %arg9: memref<1x512xf32, #tpu.memory_space<vmem>>, %arg10: memref<1x512xf32, #tpu.memory_space<vmem>>, %arg11: memref<1x512xf32, #tpu.memory_space<vmem>>, %arg12: memref<384x63xf32, #tpu.memory_space<vmem>>, %arg13: memref<1x384xf32, #tpu.memory_space<vmem>>, %arg14: memref<1x384xf32, #tpu.memory_space<vmem>>, %arg15: memref<128x3xf32, #tpu.memory_space<vmem>>, %arg16: memref<1x128xf32, #tpu.memory_space<vmem>>, %arg17: memref<128x128xf32, #tpu.memory_space<vmem>>, %arg18: memref<1x128xf32, #tpu.memory_space<vmem>>, %arg19: memref<3x136xf32, #tpu.memory_space<vmem>>, %arg20: memref<1x3xf32, #tpu.memory_space<vmem>>, %arg21: memref<4x512xf32, #tpu.memory_space<vmem>>, %arg22: memref<4x128xf32, #tpu.memory_space<vmem>>, %arg23: memref<4x512xf32, #tpu.memory_space<vmem>>, %arg24: memref<5x3xf32, #tpu.memory_space<vmem>>) attributes {dimension_semantics = [], scalar_prefetch = 0 : i64, scratch_operands = 0 : i64, tpu.core_type = #tpu.core_type<tc>} {
    %get3A = arith.constant 0 : index
    %get3A_0 = arith.constant 0 : index
    %get3A_1 = vector.load %arg0[%get3A, %get3A_0] : memref<4x128xf32, #tpu.memory_space<vmem>>, vector<4x128xf32>
    %get3A_2 = arith.constant 0 : index
    %get3A_3 = arith.constant 0 : index
    %get3A_4 = vector.load %arg2[%get3A_2, %get3A_3] : memref<1536x128xf32, #tpu.memory_space<vmem>>, vector<1536x128xf32>
    %dot_general3A = arith.constant dense<0.000000e+00> : vector<4x1536xf32>
    %dot_general3A_5 = tpu.matmul %get3A_1, %get3A_4, %dot_general3A {dimension_numbers = #tpu.dot_dimension_numbers<[1], [1], [0], [0], [0, 0, 1, 0], [], []>, transpose_lhs_hint = false} : vector<4x128xf32>, vector<1536x128xf32>, vector<4x1536xf32> -> vector<4x1536xf32>
    %get3A_6 = arith.constant 0 : index
    %get3A_7 = arith.constant 0 : index
    %get3A_8 = vector.load %arg3[%get3A_6, %get3A_7] : memref<1x1536xf32, #tpu.memory_space<vmem>>, vector<1x1536xf32>
    %add3A = vector.broadcast %get3A_8 : vector<1x1536xf32> to vector<4x1536xf32>
    %add3A_9 = arith.addf %dot_general3A_5, %add3A : vector<4x1536xf32>
    %get3A_10 = arith.constant 0 : index
    %get3A_11 = arith.constant 0 : index
    %get3A_12 = vector.load %arg4[%get3A_10, %get3A_11] : memref<1x1536xf32, #tpu.memory_space<vmem>>, vector<1x1536xf32>
    %slice3A = vector.extract_strided_slice %add3A_9 {offsets = [0, 0], sizes = [4, 512], strides = [1, 1]} : vector<4x1536xf32> to vector<4x512xf32>
    %slice3A_13 = vector.extract_strided_slice %get3A_12 {offsets = [0, 0], sizes = [1, 512], strides = [1, 1]} : vector<1x1536xf32> to vector<1x512xf32>
    %add3A_14 = vector.broadcast %slice3A_13 : vector<1x512xf32> to vector<4x512xf32>
    %add3A_15 = arith.addf %slice3A, %add3A_14 : vector<4x512xf32>
    %logistic3A = arith.negf %add3A_15 : vector<4x512xf32>
    %logistic3A_16 = math.exp %logistic3A : vector<4x512xf32>
    %logistic3A_17 = arith.constant 1.000000e+00 : f32
    %logistic3A_18 = vector.broadcast %logistic3A_17 : f32 to vector<4x512xf32>
    %logistic3A_19 = arith.addf %logistic3A_18, %logistic3A_16 : vector<4x512xf32>
    %logistic3A_20 = arith.divf %logistic3A_18, %logistic3A_19 : vector<4x512xf32>
    %slice3A_21 = vector.extract_strided_slice %add3A_9 {offsets = [0, 512], sizes = [4, 512], strides = [1, 1]} : vector<4x1536xf32> to vector<4x512xf32>
    %slice3A_22 = vector.extract_strided_slice %get3A_12 {offsets = [0, 512], sizes = [1, 512], strides = [1, 1]} : vector<1x1536xf32> to vector<1x512xf32>
    %add3A_23 = vector.broadcast %slice3A_22 : vector<1x512xf32> to vector<4x512xf32>
    %add3A_24 = arith.addf %slice3A_21, %add3A_23 : vector<4x512xf32>
    %logistic3A_25 = arith.negf %add3A_24 : vector<4x512xf32>
    %logistic3A_26 = math.exp %logistic3A_25 : vector<4x512xf32>
    %logistic3A_27 = arith.constant 1.000000e+00 : f32
    %logistic3A_28 = vector.broadcast %logistic3A_27 : f32 to vector<4x512xf32>
    %logistic3A_29 = arith.addf %logistic3A_28, %logistic3A_26 : vector<4x512xf32>
    %logistic3A_30 = arith.divf %logistic3A_28, %logistic3A_29 : vector<4x512xf32>
    %slice3A_31 = vector.extract_strided_slice %add3A_9 {offsets = [0, 1024], sizes = [4, 512], strides = [1, 1]} : vector<4x1536xf32> to vector<4x512xf32>
    %slice3A_32 = vector.extract_strided_slice %get3A_12 {offsets = [0, 1024], sizes = [1, 512], strides = [1, 1]} : vector<1x1536xf32> to vector<1x512xf32>
    %mul3A = vector.broadcast %slice3A_32 : vector<1x512xf32> to vector<4x512xf32>
    %mul3A_33 = arith.mulf %logistic3A_20, %mul3A : vector<4x512xf32>
    %add3A_34 = arith.addf %slice3A_31, %mul3A_33 : vector<4x512xf32>
    %tanh3A = math.tanh %add3A_34 : vector<4x512xf32>
    %sub3A = arith.constant 1.000000e+00 : f32
    %sub3A_35 = vector.broadcast %sub3A : f32 to vector<4x512xf32>
    %sub3A_36 = arith.subf %sub3A_35, %logistic3A_30 : vector<4x512xf32>
    %mul3A_37 = arith.mulf %sub3A_36, %tanh3A : vector<4x512xf32>
    %swap3A = arith.constant 0 : index
    %swap3A_38 = arith.constant 0 : index
    %swap3A_39 = vector.load %arg21[%swap3A, %swap3A_38] : memref<4x512xf32, #tpu.memory_space<vmem>>, vector<4x512xf32>
    tpu.vector_store %arg21[%swap3A, %swap3A_38], %mul3A_37 {strides = array<i32>} : memref<4x512xf32, #tpu.memory_space<vmem>>, vector<4x512xf32>,
    %get3A_40 = arith.constant 0 : index
    %get3A_41 = arith.constant 0 : index
    %get3A_42 = vector.load %arg1[%get3A_40, %get3A_41] : memref<4x63xf32, #tpu.memory_space<vmem>>, vector<4x63xf32>
    %get3A_43 = arith.constant 0 : index
    %get3A_44 = arith.constant 0 : index
    %get3A_45 = vector.load %arg12[%get3A_43, %get3A_44] : memref<384x63xf32, #tpu.memory_space<vmem>>, vector<384x63xf32>
    %dot_general3A_46 = arith.constant dense<0.000000e+00> : vector<4x384xf32>
    %dot_general3A_47 = tpu.matmul %get3A_42, %get3A_45, %dot_general3A_46 {dimension_numbers = #tpu.dot_dimension_numbers<[1], [1], [0], [0], [0, 0, 1, 0], [], []>, transpose_lhs_hint = false} : vector<4x63xf32>, vector<384x63xf32>, vector<4x384xf32> -> vector<4x384xf32>
    %get3A_48 = arith.constant 0 : index
    %get3A_49 = arith.constant 0 : index
    %get3A_50 = vector.load %arg13[%get3A_48, %get3A_49] : memref<1x384xf32, #tpu.memory_space<vmem>>, vector<1x384xf32>
    %add3A_51 = vector.broadcast %get3A_50 : vector<1x384xf32> to vector<4x384xf32>
    %add3A_52 = arith.addf %dot_general3A_47, %add3A_51 : vector<4x384xf32>
    %get3A_53 = arith.constant 0 : index
    %get3A_54 = arith.constant 0 : index
    %get3A_55 = vector.load %arg14[%get3A_53, %get3A_54] : memref<1x384xf32, #tpu.memory_space<vmem>>, vector<1x384xf32>
    %slice3A_56 = vector.extract_strided_slice %add3A_52 {offsets = [0, 0], sizes = [4, 128], strides = [1, 1]} : vector<4x384xf32> to vector<4x128xf32>
    %slice3A_57 = vector.extract_strided_slice %get3A_55 {offsets = [0, 0], sizes = [1, 128], strides = [1, 1]} : vector<1x384xf32> to vector<1x128xf32>
    %add3A_58 = vector.broadcast %slice3A_57 : vector<1x128xf32> to vector<4x128xf32>
    %add3A_59 = arith.addf %slice3A_56, %add3A_58 : vector<4x128xf32>
    %logistic3A_60 = arith.negf %add3A_59 : vector<4x128xf32>
    %logistic3A_61 = math.exp %logistic3A_60 : vector<4x128xf32>
    %logistic3A_62 = arith.constant 1.000000e+00 : f32
    %logistic3A_63 = vector.broadcast %logistic3A_62 : f32 to vector<4x128xf32>
    %logistic3A_64 = arith.addf %logistic3A_63, %logistic3A_61 : vector<4x128xf32>
    %logistic3A_65 = arith.divf %logistic3A_63, %logistic3A_64 : vector<4x128xf32>
    %slice3A_66 = vector.extract_strided_slice %add3A_52 {offsets = [0, 128], sizes = [4, 128], strides = [1, 1]} : vector<4x384xf32> to vector<4x128xf32>
    %slice3A_67 = vector.extract_strided_slice %get3A_55 {offsets = [0, 128], sizes = [1, 128], strides = [1, 1]} : vector<1x384xf32> to vector<1x128xf32>
    %add3A_68 = vector.broadcast %slice3A_67 : vector<1x128xf32> to vector<4x128xf32>
    %add3A_69 = arith.addf %slice3A_66, %add3A_68 : vector<4x128xf32>
    %logistic3A_70 = arith.negf %add3A_69 : vector<4x128xf32>
    %logistic3A_71 = math.exp %logistic3A_70 : vector<4x128xf32>
    %logistic3A_72 = arith.constant 1.000000e+00 : f32
    %logistic3A_73 = vector.broadcast %logistic3A_72 : f32 to vector<4x128xf32>
    %logistic3A_74 = arith.addf %logistic3A_73, %logistic3A_71 : vector<4x128xf32>
    %logistic3A_75 = arith.divf %logistic3A_73, %logistic3A_74 : vector<4x128xf32>
    %slice3A_76 = vector.extract_strided_slice %add3A_52 {offsets = [0, 256], sizes = [4, 128], strides = [1, 1]} : vector<4x384xf32> to vector<4x128xf32>
    %slice3A_77 = vector.extract_strided_slice %get3A_55 {offsets = [0, 256], sizes = [1, 128], strides = [1, 1]} : vector<1x384xf32> to vector<1x128xf32>
    %mul3A_78 = vector.broadcast %slice3A_77 : vector<1x128xf32> to vector<4x128xf32>
    %mul3A_79 = arith.mulf %logistic3A_65, %mul3A_78 : vector<4x128xf32>
    %add3A_80 = arith.addf %slice3A_76, %mul3A_79 : vector<4x128xf32>
    %tanh3A_81 = math.tanh %add3A_80 : vector<4x128xf32>
    %sub3A_82 = arith.constant 1.000000e+00 : f32
    %sub3A_83 = vector.broadcast %sub3A_82 : f32 to vector<4x128xf32>
    %sub3A_84 = arith.subf %sub3A_83, %logistic3A_75 : vector<4x128xf32>
    %mul3A_85 = arith.mulf %sub3A_84, %tanh3A_81 : vector<4x128xf32>
    %swap3A_86 = arith.constant 0 : index
    %swap3A_87 = arith.constant 0 : index
    %swap3A_88 = vector.load %arg22[%swap3A_86, %swap3A_87] : memref<4x128xf32, #tpu.memory_space<vmem>>, vector<4x128xf32>
    tpu.vector_store %arg22[%swap3A_86, %swap3A_87], %mul3A_85 {strides = array<i32>} : memref<4x128xf32, #tpu.memory_space<vmem>>, vector<4x128xf32>,
    %get3A_89 = arith.constant 0 : index
    %get3A_90 = arith.constant 0 : index
    %get3A_91 = vector.load %arg5[%get3A_89, %get3A_90] : memref<512x512xf32, #tpu.memory_space<vmem>>, vector<512x512xf32>
    %dot_general3A_92 = arith.constant dense<0.000000e+00> : vector<4x512xf32>
    %dot_general3A_93 = tpu.matmul %mul3A_37, %get3A_91, %dot_general3A_92 {dimension_numbers = #tpu.dot_dimension_numbers<[1], [1], [0], [0], [0, 0, 1, 0], [], []>, transpose_lhs_hint = false} : vector<4x512xf32>, vector<512x512xf32>, vector<4x512xf32> -> vector<4x512xf32>
    %get3A_94 = arith.constant 0 : index
    %get3A_95 = arith.constant 0 : index
    %get3A_96 = vector.load %arg6[%get3A_94, %get3A_95] : memref<1x512xf32, #tpu.memory_space<vmem>>, vector<1x512xf32>
    %add3A_97 = vector.broadcast %get3A_96 : vector<1x512xf32> to vector<4x512xf32>
    %add3A_98 = arith.addf %dot_general3A_93, %add3A_97 : vector<4x512xf32>
    %ge3A = arith.constant 0.000000e+00 : f32
    %ge3A_99 = vector.broadcast %ge3A : f32 to vector<4x512xf32>
    %ge3A_100 = arith.cmpf oge, %add3A_98, %ge3A_99 : vector<4x512xf32>
    %get3A_101 = arith.constant 0 : index
    %get3A_102 = arith.constant 0 : index
    %get3A_103 = vector.load %arg7[%get3A_101, %get3A_102] : memref<1x512xf32, #tpu.memory_space<vmem>>, vector<1x512xf32>
    %mul3A_104 = vector.broadcast %get3A_103 : vector<1x512xf32> to vector<4x512xf32>
    %mul3A_105 = arith.mulf %mul3A_104, %add3A_98 : vector<4x512xf32>
    %select_n3A = arith.select %ge3A_100, %add3A_98, %mul3A_105 : vector<4x512xi1>, vector<4x512xf32>
    %get3A_106 = arith.constant 0 : index
    %get3A_107 = arith.constant 0 : index
    %get3A_108 = vector.load %arg10[%get3A_106, %get3A_107] : memref<1x512xf32, #tpu.memory_space<vmem>>, vector<1x512xf32>
    %sub3A_109 = vector.broadcast %get3A_108 : vector<1x512xf32> to vector<4x512xf32>
    %sub3A_110 = arith.subf %select_n3A, %sub3A_109 : vector<4x512xf32>
    %get3A_111 = arith.constant 0 : index
    %get3A_112 = arith.constant 0 : index
    %get3A_113 = vector.load %arg11[%get3A_111, %get3A_112] : memref<1x512xf32, #tpu.memory_space<vmem>>, vector<1x512xf32>
    %add3A_114 = arith.constant 9.99999974E-6 : f32
    %add3A_115 = vector.broadcast %add3A_114 : f32 to vector<1x512xf32>
    %add3A_116 = arith.addf %get3A_113, %add3A_115 : vector<1x512xf32>
    %rsqrt3A = math.rsqrt %add3A_116 : vector<1x512xf32>
    %mul3A_117 = vector.broadcast %rsqrt3A : vector<1x512xf32> to vector<4x512xf32>
    %mul3A_118 = arith.mulf %sub3A_110, %mul3A_117 : vector<4x512xf32>
    %get3A_119 = arith.constant 0 : index
    %get3A_120 = arith.constant 0 : index
    %get3A_121 = vector.load %arg8[%get3A_119, %get3A_120] : memref<1x512xf32, #tpu.memory_space<vmem>>, vector<1x512xf32>
    %mul3A_122 = vector.broadcast %get3A_121 : vector<1x512xf32> to vector<4x512xf32>
    %mul3A_123 = arith.mulf %mul3A_118, %mul3A_122 : vector<4x512xf32>
    %get3A_124 = arith.constant 0 : index
    %get3A_125 = arith.constant 0 : index
    %get3A_126 = vector.load %arg9[%get3A_124, %get3A_125] : memref<1x512xf32, #tpu.memory_space<vmem>>, vector<1x512xf32>
    %add3A_127 = vector.broadcast %get3A_126 : vector<1x512xf32> to vector<4x512xf32>
    %add3A_128 = arith.addf %mul3A_123, %add3A_127 : vector<4x512xf32>
    %swap3A_129 = arith.constant 0 : index
    %swap3A_130 = arith.constant 0 : index
    %swap3A_131 = vector.load %arg23[%swap3A_129, %swap3A_130] : memref<4x512xf32, #tpu.memory_space<vmem>>, vector<4x512xf32>
    tpu.vector_store %arg23[%swap3A_129, %swap3A_130], %add3A_128 {strides = array<i32>} : memref<4x512xf32, #tpu.memory_space<vmem>>, vector<4x512xf32>,
    %get3A_132 = arith.constant 0 : index
    %get3A_133 = arith.constant 8 : index
    %get3A_134 = vector.load %arg19[%get3A_132, %get3A_133] : memref<3x136xf32, #tpu.memory_space<vmem>>, vector<3x128xf32>
    %get3A_135 = arith.constant 0 : index
    %get3A_136 = arith.constant 0 : index
    %get3A_137 = vector.load %arg17[%get3A_135, %get3A_136] : memref<128x128xf32, #tpu.memory_space<vmem>>, vector<128x128xf32>
    %dot_general3A_138 = arith.constant dense<0.000000e+00> : vector<128x3xf32>
    %dot_general3A_139 = tpu.matmul %get3A_137, %get3A_134, %dot_general3A_138 {dimension_numbers = #tpu.dot_dimension_numbers<[0], [1], [1], [0], [0, 1, 1, 0], [], []>, transpose_lhs_hint = false} : vector<128x128xf32>, vector<3x128xf32>, vector<128x3xf32> -> vector<128x3xf32>
    %get3A_140 = arith.constant 0 : index
    %get3A_141 = arith.constant 0 : index
    %get3A_142 = vector.load %arg15[%get3A_140, %get3A_141] : memref<128x3xf32, #tpu.memory_space<vmem>>, vector<128x3xf32>
    %dot_general3A_143 = arith.constant dense<0.000000e+00> : vector<3x3xf32>
    %dot_general3A_144 = tpu.matmul %get3A_142, %dot_general3A_139, %dot_general3A_143 {dimension_numbers = #tpu.dot_dimension_numbers<[0], [0], [1], [1], [0, 1, 1, 1], [], []>, transpose_lhs_hint = false} : vector<128x3xf32>, vector<128x3xf32>, vector<3x3xf32> -> vector<3x3xf32>
    %get3A_145 = arith.constant 0 : index
    %get3A_146 = arith.constant 0 : index
    %get3A_147 = vector.load %arg16[%get3A_145, %get3A_146] : memref<1x128xf32, #tpu.memory_space<vmem>>, vector<1x128xf32>
    %dot_general3A_148 = arith.constant dense<0.000000e+00> : vector<1x3xf32>
    %dot_general3A_149 = tpu.matmul %get3A_147, %dot_general3A_139, %dot_general3A_148 {dimension_numbers = #tpu.dot_dimension_numbers<[1], [0], [0], [1], [0, 0, 1, 1], [], []>, transpose_lhs_hint = false} : vector<1x128xf32>, vector<128x3xf32>, vector<1x3xf32> -> vector<1x3xf32>
    %get3A_150 = arith.constant 0 : index
    %get3A_151 = arith.constant 0 : index
    %get3A_152 = vector.load %arg18[%get3A_150, %get3A_151] : memref<1x128xf32, #tpu.memory_space<vmem>>, vector<1x128xf32>
    %dot_general3A_153 = arith.constant dense<0.000000e+00> : vector<1x3xf32>
    %dot_general3A_154 = tpu.matmul %get3A_152, %get3A_134, %dot_general3A_153 {dimension_numbers = #tpu.dot_dimension_numbers<[1], [1], [0], [0], [0, 0, 1, 0], [], []>, transpose_lhs_hint = false} : vector<1x128xf32>, vector<3x128xf32>, vector<1x3xf32> -> vector<1x3xf32>
    %get3A_155 = arith.constant 0 : index
    %get3A_156 = arith.constant 0 : index
    %get3A_157 = vector.load %arg20[%get3A_155, %get3A_156] : memref<1x3xf32, #tpu.memory_space<vmem>>, vector<1x3xf32>
    %add3A_158 = arith.addf %dot_general3A_154, %get3A_157 : vector<1x3xf32>
    %concatenate3A = tpu.concatenate %dot_general3A_144, %dot_general3A_149, %add3A_158 in 0 : vector<3x3xf32>, vector<1x3xf32>, vector<1x3xf32> -> vector<5x3xf32>
    %swap3A_159 = arith.constant 0 : index
    %swap3A_160 = arith.constant 0 : index
    %swap3A_161 = vector.load %arg24[%swap3A_159, %swap3A_160] : memref<5x3xf32, #tpu.memory_space<vmem>>, vector<5x3xf32>
    tpu.vector_store %arg24[%swap3A_159, %swap3A_160], %concatenate3A {strides = array<i32>} : memref<5x3xf32, #tpu.memory_space<vmem>>, vector<5x3xf32>,
    return
  }
}

module attributes {stable_mosaic.version = 14 : i64} {
  func.func @_mlp2_kernel(%arg0: i32, %arg1: memref<4x512xf32, #tpu.memory_space<vmem>>, %arg2: memref<3200x512xf32, #tpu.memory_space<vmem>>, %arg3: memref<1x3200xf32, #tpu.memory_space<vmem>>, %arg4: memref<1x3200xf32, #tpu.memory_space<vmem>>, %arg5: memref<1x3200xf32, #tpu.memory_space<vmem>>, %arg6: memref<1x3200xf32, #tpu.memory_space<vmem>>, %arg7: memref<1x3200xf32, #tpu.memory_space<vmem>>, %arg8: memref<1x3200xf32, #tpu.memory_space<vmem>>, %arg9: memref<4x3200xf32, #tpu.memory_space<vmem>>) attributes {dimension_semantics = [#tpu.dimension_semantics<arbitrary>], iteration_bounds = array<i64: 25>, scalar_prefetch = 0 : i64, scratch_operands = 0 : i64, tpu.core_type = #tpu.core_type<tc>, window_params = [{pipeline_mode = #tpu.pipeline_mode<synchronous>, transform_indices = @transform_0, window_bounds = array<i64: 4, 512>}, {transform_indices = @transform_1, window_bounds = array<i64: 3200, 512>}, {transform_indices = @transform_2, window_bounds = array<i64: 1, 3200>}, {transform_indices = @transform_3, window_bounds = array<i64: 1, 3200>}, {transform_indices = @transform_4, window_bounds = array<i64: 1, 3200>}, {transform_indices = @transform_5, window_bounds = array<i64: 1, 3200>}, {transform_indices = @transform_6, window_bounds = array<i64: 1, 3200>}, {transform_indices = @transform_7, window_bounds = array<i64: 1, 3200>}, {transform_indices = @transform_8, window_bounds = array<i64: 4, 3200>}]} {
    %get3A = arith.constant 0 : index
    %get3A_0 = arith.constant 0 : index
    %get3A_1 = vector.load %arg1[%get3A, %get3A_0] : memref<4x512xf32, #tpu.memory_space<vmem>>, vector<4x512xf32>
    %get3A_2 = arith.constant 0 : index
    %get3A_3 = arith.constant 0 : index
    %get3A_4 = vector.load %arg2[%get3A_2, %get3A_3] : memref<3200x512xf32, #tpu.memory_space<vmem>>, vector<3200x512xf32>
    %dot_general3A = arith.constant dense<0.000000e+00> : vector<4x3200xf32>
    %dot_general3A_5 = tpu.matmul %get3A_1, %get3A_4, %dot_general3A {dimension_numbers = #tpu.dot_dimension_numbers<[1], [1], [0], [0], [0, 0, 1, 0], [], []>, transpose_lhs_hint = false} : vector<4x512xf32>, vector<3200x512xf32>, vector<4x3200xf32> -> vector<4x3200xf32>
    %get3A_6 = arith.constant 0 : index
    %get3A_7 = arith.constant 0 : index
    %get3A_8 = vector.load %arg3[%get3A_6, %get3A_7] : memref<1x3200xf32, #tpu.memory_space<vmem>>, vector<1x3200xf32>
    %add3A = vector.broadcast %get3A_8 : vector<1x3200xf32> to vector<4x3200xf32>
    %add3A_9 = arith.addf %dot_general3A_5, %add3A : vector<4x3200xf32>
    %ge3A = arith.constant 0.000000e+00 : f32
    %ge3A_10 = vector.broadcast %ge3A : f32 to vector<4x3200xf32>
    %ge3A_11 = arith.cmpf oge, %add3A_9, %ge3A_10 : vector<4x3200xf32>
    %get3A_12 = arith.constant 0 : index
    %get3A_13 = arith.constant 0 : index
    %get3A_14 = vector.load %arg4[%get3A_12, %get3A_13] : memref<1x3200xf32, #tpu.memory_space<vmem>>, vector<1x3200xf32>
    %mul3A = vector.broadcast %get3A_14 : vector<1x3200xf32> to vector<4x3200xf32>
    %mul3A_15 = arith.mulf %mul3A, %add3A_9 : vector<4x3200xf32>
    %select_n3A = arith.select %ge3A_11, %add3A_9, %mul3A_15 : vector<4x3200xi1>, vector<4x3200xf32>
    %get3A_16 = arith.constant 0 : index
    %get3A_17 = arith.constant 0 : index
    %get3A_18 = vector.load %arg7[%get3A_16, %get3A_17] : memref<1x3200xf32, #tpu.memory_space<vmem>>, vector<1x3200xf32>
    %sub3A = vector.broadcast %get3A_18 : vector<1x3200xf32> to vector<4x3200xf32>
    %sub3A_19 = arith.subf %select_n3A, %sub3A : vector<4x3200xf32>
    %get3A_20 = arith.constant 0 : index
    %get3A_21 = arith.constant 0 : index
    %get3A_22 = vector.load %arg8[%get3A_20, %get3A_21] : memref<1x3200xf32, #tpu.memory_space<vmem>>, vector<1x3200xf32>
    %add3A_23 = arith.constant 9.99999974E-6 : f32
    %add3A_24 = vector.broadcast %add3A_23 : f32 to vector<1x3200xf32>
    %add3A_25 = arith.addf %get3A_22, %add3A_24 : vector<1x3200xf32>
    %rsqrt3A = math.rsqrt %add3A_25 : vector<1x3200xf32>
    %mul3A_26 = vector.broadcast %rsqrt3A : vector<1x3200xf32> to vector<4x3200xf32>
    %mul3A_27 = arith.mulf %sub3A_19, %mul3A_26 : vector<4x3200xf32>
    %get3A_28 = arith.constant 0 : index
    %get3A_29 = arith.constant 0 : index
    %get3A_30 = vector.load %arg5[%get3A_28, %get3A_29] : memref<1x3200xf32, #tpu.memory_space<vmem>>, vector<1x3200xf32>
    %mul3A_31 = vector.broadcast %get3A_30 : vector<1x3200xf32> to vector<4x3200xf32>
    %mul3A_32 = arith.mulf %mul3A_27, %mul3A_31 : vector<4x3200xf32>
    %get3A_33 = arith.constant 0 : index
    %get3A_34 = arith.constant 0 : index
    %get3A_35 = vector.load %arg6[%get3A_33, %get3A_34] : memref<1x3200xf32, #tpu.memory_space<vmem>>, vector<1x3200xf32>
    %add3A_36 = vector.broadcast %get3A_35 : vector<1x3200xf32> to vector<4x3200xf32>
    %add3A_37 = arith.addf %mul3A_32, %add3A_36 : vector<4x3200xf32>
    %swap3A = arith.constant 0 : index
    %swap3A_38 = arith.constant 0 : index
    %swap3A_39 = vector.load %arg9[%swap3A, %swap3A_38] : memref<4x3200xf32, #tpu.memory_space<vmem>>, vector<4x3200xf32>
    tpu.vector_store %arg9[%swap3A, %swap3A_38], %add3A_37 {strides = array<i32>} : memref<4x3200xf32, #tpu.memory_space<vmem>>, vector<4x3200xf32>,
    return
  }
  func.func @transform_0(%arg0: i32) -> (i32, i32) {
    %c0_i32 = arith.constant 0 : i32
    %c0_i32_0 = arith.constant 0 : i32
    %c0_i32_1 = arith.constant 0 : i32
    return %c0_i32, %c0_i32_0 : i32, i32
  }
  func.func @transform_1(%arg0: i32) -> (i32, i32) {
    %c0_i32 = arith.constant 0 : i32
    %c0_i32_0 = arith.constant 0 : i32
    return %arg0, %c0_i32 : i32, i32
  }
  func.func @transform_2(%arg0: i32) -> (i32, i32) {
    %c0_i32 = arith.constant 0 : i32
    %c0_i32_0 = arith.constant 0 : i32
    return %c0_i32, %arg0 : i32, i32
  }
  func.func @transform_3(%arg0: i32) -> (i32, i32) {
    %c0_i32 = arith.constant 0 : i32
    %c0_i32_0 = arith.constant 0 : i32
    return %c0_i32, %arg0 : i32, i32
  }
  func.func @transform_4(%arg0: i32) -> (i32, i32) {
    %c0_i32 = arith.constant 0 : i32
    %c0_i32_0 = arith.constant 0 : i32
    return %c0_i32, %arg0 : i32, i32
  }
  func.func @transform_5(%arg0: i32) -> (i32, i32) {
    %c0_i32 = arith.constant 0 : i32
    %c0_i32_0 = arith.constant 0 : i32
    return %c0_i32, %arg0 : i32, i32
  }
  func.func @transform_6(%arg0: i32) -> (i32, i32) {
    %c0_i32 = arith.constant 0 : i32
    %c0_i32_0 = arith.constant 0 : i32
    return %c0_i32, %arg0 : i32, i32
  }
  func.func @transform_7(%arg0: i32) -> (i32, i32) {
    %c0_i32 = arith.constant 0 : i32
    %c0_i32_0 = arith.constant 0 : i32
    return %c0_i32, %arg0 : i32, i32
  }
  func.func @transform_8(%arg0: i32) -> (i32, i32) {
    %c0_i32 = arith.constant 0 : i32
    %c0_i32_0 = arith.constant 0 : i32
    return %c0_i32, %arg0 : i32, i32
  }
}

module attributes {stable_mosaic.version = 14 : i64} {
  func.func @_final_kernel(%arg0: i32, %arg1: memref<1024x16xf32, #tpu.memory_space<vmem>>, %arg2: memref<1024x8xf32, #tpu.memory_space<vmem>>, %arg3: memref<1024x8xf32, #tpu.memory_space<vmem>>, %arg4: memref<1024x8xf32, #tpu.memory_space<vmem>>, %arg5: memref<1024x8xf32, #tpu.memory_space<vmem>>, %arg6: memref<5x3xf32, #tpu.memory_space<vmem>>, %arg7: memref<3x136xf32, #tpu.memory_space<vmem>>, %arg8: memref<1024x3xf32, #tpu.memory_space<vmem>>, %arg9: memref<1024x3xf32, #tpu.memory_space<vmem>>, %arg10: memref<1024x3xf32, #tpu.memory_space<vmem>>, %arg11: memref<1024x3xf32, #tpu.memory_space<vmem>>) attributes {dimension_semantics = [#tpu.dimension_semantics<arbitrary>], iteration_bounds = array<i64: 10>, scalar_prefetch = 0 : i64, scratch_operands = 0 : i64, tpu.core_type = #tpu.core_type<tc>, window_params = [{transform_indices = @transform_0, window_bounds = array<i64: 1024, 16>}, {transform_indices = @transform_1, window_bounds = array<i64: 1024, 8>}, {transform_indices = @transform_2, window_bounds = array<i64: 1024, 8>}, {transform_indices = @transform_3, window_bounds = array<i64: 1024, 8>}, {transform_indices = @transform_4, window_bounds = array<i64: 1024, 8>}, {pipeline_mode = #tpu.pipeline_mode<synchronous>, transform_indices = @transform_5, window_bounds = array<i64: 5, 3>}, {pipeline_mode = #tpu.pipeline_mode<synchronous>, transform_indices = @transform_6, window_bounds = array<i64: 3, 136>}, {transform_indices = @transform_7, window_bounds = array<i64: 1024, 3>}, {transform_indices = @transform_8, window_bounds = array<i64: 1024, 3>}, {transform_indices = @transform_9, window_bounds = array<i64: 1024, 3>}, {transform_indices = @transform_10, window_bounds = array<i64: 1024, 3>}]} {
    %get3A = arith.constant 0 : index
    %get3A_0 = arith.constant 0 : index
    %get3A_1 = vector.load %arg1[%get3A, %get3A_0] : memref<1024x16xf32, #tpu.memory_space<vmem>>, vector<1024x16xf32>
    %get3A_2 = arith.constant 0 : index
    %get3A_3 = arith.constant 0 : index
    %get3A_4 = vector.load %arg6[%get3A_2, %get3A_3] : memref<5x3xf32, #tpu.memory_space<vmem>>, vector<3x3xf32>
    %get3A_5 = arith.constant 3 : index
    %get3A_6 = arith.constant 0 : index
    %get3A_7 = vector.load %arg6[%get3A_5, %get3A_6] : memref<5x3xf32, #tpu.memory_space<vmem>>, vector<1x3xf32>
    %get3A_8 = arith.constant 4 : index
    %get3A_9 = arith.constant 0 : index
    %get3A_10 = vector.load %arg6[%get3A_8, %get3A_9] : memref<5x3xf32, #tpu.memory_space<vmem>>, vector<1x3xf32>
    %get3A_11 = arith.constant 0 : index
    %get3A_12 = arith.constant 0 : index
    %get3A_13 = vector.load %arg7[%get3A_11, %get3A_12] : memref<3x136xf32, #tpu.memory_space<vmem>>, vector<3x8xf32>
    %slice3A = vector.extract_strided_slice %get3A_1 {offsets = [0, 12], sizes = [1024, 1], strides = [1, 1]} : vector<1024x16xf32> to vector<1024x1xf32>
    %dot_general3A = arith.constant dense<0.000000e+00> : vector<1024x3xf32>
    %dot_general3A_14 = tpu.matmul %slice3A, %get3A_7, %dot_general3A {dimension_numbers = #tpu.dot_dimension_numbers<[1], [0], [0], [1], [0, 0, 1, 1], [], []>, transpose_lhs_hint = false} : vector<1024x1xf32>, vector<1x3xf32>, vector<1024x3xf32> -> vector<1024x3xf32>
    %add3A = vector.broadcast %get3A_10 : vector<1x3xf32> to vector<1024x3xf32>
    %add3A_15 = arith.addf %dot_general3A_14, %add3A : vector<1024x3xf32>
    %slice3A_16 = vector.extract_strided_slice %get3A_1 {offsets = [0, 0], sizes = [1024, 3], strides = [1, 1]} : vector<1024x16xf32> to vector<1024x3xf32>
    %get3A_17 = arith.constant 0 : index
    %get3A_18 = arith.constant 0 : index
    %get3A_19 = vector.load %arg2[%get3A_17, %get3A_18] : memref<1024x8xf32, #tpu.memory_space<vmem>>, vector<1024x8xf32>
    %dot_general3A_20 = arith.constant dense<0.000000e+00> : vector<1024x3xf32>
    %dot_general3A_21 = tpu.matmul %get3A_19, %get3A_13, %dot_general3A_20 {dimension_numbers = #tpu.dot_dimension_numbers<[1], [1], [0], [0], [0, 0, 1, 0], [], []>, transpose_lhs_hint = false} : vector<1024x8xf32>, vector<3x8xf32>, vector<1024x3xf32> -> vector<1024x3xf32>
    %dot_general3A_22 = arith.constant dense<0.000000e+00> : vector<1024x3xf32>
    %dot_general3A_23 = tpu.matmul %slice3A_16, %get3A_4, %dot_general3A_22 {dimension_numbers = #tpu.dot_dimension_numbers<[1], [0], [0], [1], [0, 0, 1, 1], [], []>, transpose_lhs_hint = false} : vector<1024x3xf32>, vector<3x3xf32>, vector<1024x3xf32> -> vector<1024x3xf32>
    %add3A_24 = arith.addf %dot_general3A_21, %dot_general3A_23 : vector<1024x3xf32>
    %add3A_25 = arith.addf %add3A_24, %add3A_15 : vector<1024x3xf32>
    %swap3A = arith.constant 0 : index
    %swap3A_26 = arith.constant 0 : index
    %swap3A_27 = vector.load %arg8[%swap3A, %swap3A_26] : memref<1024x3xf32, #tpu.memory_space<vmem>>, vector<1024x3xf32>
    tpu.vector_store %arg8[%swap3A, %swap3A_26], %add3A_25 {strides = array<i32>} : memref<1024x3xf32, #tpu.memory_space<vmem>>, vector<1024x3xf32>,
    %slice3A_28 = vector.extract_strided_slice %get3A_1 {offsets = [0, 3], sizes = [1024, 3], strides = [1, 1]} : vector<1024x16xf32> to vector<1024x3xf32>
    %get3A_29 = arith.constant 0 : index
    %get3A_30 = arith.constant 0 : index
    %get3A_31 = vector.load %arg3[%get3A_29, %get3A_30] : memref<1024x8xf32, #tpu.memory_space<vmem>>, vector<1024x8xf32>
    %dot_general3A_32 = arith.constant dense<0.000000e+00> : vector<1024x3xf32>
    %dot_general3A_33 = tpu.matmul %get3A_31, %get3A_13, %dot_general3A_32 {dimension_numbers = #tpu.dot_dimension_numbers<[1], [1], [0], [0], [0, 0, 1, 0], [], []>, transpose_lhs_hint = false} : vector<1024x8xf32>, vector<3x8xf32>, vector<1024x3xf32> -> vector<1024x3xf32>
    %dot_general3A_34 = arith.constant dense<0.000000e+00> : vector<1024x3xf32>
    %dot_general3A_35 = tpu.matmul %slice3A_28, %get3A_4, %dot_general3A_34 {dimension_numbers = #tpu.dot_dimension_numbers<[1], [0], [0], [1], [0, 0, 1, 1], [], []>, transpose_lhs_hint = false} : vector<1024x3xf32>, vector<3x3xf32>, vector<1024x3xf32> -> vector<1024x3xf32>
    %add3A_36 = arith.addf %dot_general3A_33, %dot_general3A_35 : vector<1024x3xf32>
    %add3A_37 = arith.addf %add3A_36, %add3A_15 : vector<1024x3xf32>
    %swap3A_38 = arith.constant 0 : index
    %swap3A_39 = arith.constant 0 : index
    %swap3A_40 = vector.load %arg9[%swap3A_38, %swap3A_39] : memref<1024x3xf32, #tpu.memory_space<vmem>>, vector<1024x3xf32>
    tpu.vector_store %arg9[%swap3A_38, %swap3A_39], %add3A_37 {strides = array<i32>} : memref<1024x3xf32, #tpu.memory_space<vmem>>, vector<1024x3xf32>,
    %slice3A_41 = vector.extract_strided_slice %get3A_1 {offsets = [0, 6], sizes = [1024, 3], strides = [1, 1]} : vector<1024x16xf32> to vector<1024x3xf32>
    %get3A_42 = arith.constant 0 : index
    %get3A_43 = arith.constant 0 : index
    %get3A_44 = vector.load %arg4[%get3A_42, %get3A_43] : memref<1024x8xf32, #tpu.memory_space<vmem>>, vector<1024x8xf32>
    %dot_general3A_45 = arith.constant dense<0.000000e+00> : vector<1024x3xf32>
    %dot_general3A_46 = tpu.matmul %get3A_44, %get3A_13, %dot_general3A_45 {dimension_numbers = #tpu.dot_dimension_numbers<[1], [1], [0], [0], [0, 0, 1, 0], [], []>, transpose_lhs_hint = false} : vector<1024x8xf32>, vector<3x8xf32>, vector<1024x3xf32> -> vector<1024x3xf32>
    %dot_general3A_47 = arith.constant dense<0.000000e+00> : vector<1024x3xf32>
    %dot_general3A_48 = tpu.matmul %slice3A_41, %get3A_4, %dot_general3A_47 {dimension_numbers = #tpu.dot_dimension_numbers<[1], [0], [0], [1], [0, 0, 1, 1], [], []>, transpose_lhs_hint = false} : vector<1024x3xf32>, vector<3x3xf32>, vector<1024x3xf32> -> vector<1024x3xf32>
    %add3A_49 = arith.addf %dot_general3A_46, %dot_general3A_48 : vector<1024x3xf32>
    %add3A_50 = arith.addf %add3A_49, %add3A_15 : vector<1024x3xf32>
    %swap3A_51 = arith.constant 0 : index
    %swap3A_52 = arith.constant 0 : index
    %swap3A_53 = vector.load %arg10[%swap3A_51, %swap3A_52] : memref<1024x3xf32, #tpu.memory_space<vmem>>, vector<1024x3xf32>
    tpu.vector_store %arg10[%swap3A_51, %swap3A_52], %add3A_50 {strides = array<i32>} : memref<1024x3xf32, #tpu.memory_space<vmem>>, vector<1024x3xf32>,
    %slice3A_54 = vector.extract_strided_slice %get3A_1 {offsets = [0, 9], sizes = [1024, 3], strides = [1, 1]} : vector<1024x16xf32> to vector<1024x3xf32>
    %get3A_55 = arith.constant 0 : index
    %get3A_56 = arith.constant 0 : index
    %get3A_57 = vector.load %arg5[%get3A_55, %get3A_56] : memref<1024x8xf32, #tpu.memory_space<vmem>>, vector<1024x8xf32>
    %dot_general3A_58 = arith.constant dense<0.000000e+00> : vector<1024x3xf32>
    %dot_general3A_59 = tpu.matmul %get3A_57, %get3A_13, %dot_general3A_58 {dimension_numbers = #tpu.dot_dimension_numbers<[1], [1], [0], [0], [0, 0, 1, 0], [], []>, transpose_lhs_hint = false} : vector<1024x8xf32>, vector<3x8xf32>, vector<1024x3xf32> -> vector<1024x3xf32>
    %dot_general3A_60 = arith.constant dense<0.000000e+00> : vector<1024x3xf32>
    %dot_general3A_61 = tpu.matmul %slice3A_54, %get3A_4, %dot_general3A_60 {dimension_numbers = #tpu.dot_dimension_numbers<[1], [0], [0], [1], [0, 0, 1, 1], [], []>, transpose_lhs_hint = false} : vector<1024x3xf32>, vector<3x3xf32>, vector<1024x3xf32> -> vector<1024x3xf32>
    %add3A_62 = arith.addf %dot_general3A_59, %dot_general3A_61 : vector<1024x3xf32>
    %add3A_63 = arith.addf %add3A_62, %add3A_15 : vector<1024x3xf32>
    %swap3A_64 = arith.constant 0 : index
    %swap3A_65 = arith.constant 0 : index
    %swap3A_66 = vector.load %arg11[%swap3A_64, %swap3A_65] : memref<1024x3xf32, #tpu.memory_space<vmem>>, vector<1024x3xf32>
    tpu.vector_store %arg11[%swap3A_64, %swap3A_65], %add3A_63 {strides = array<i32>} : memref<1024x3xf32, #tpu.memory_space<vmem>>, vector<1024x3xf32>,
    return
  }
  func.func @transform_0(%arg0: i32) -> (i32, i32) {
    %c0_i32 = arith.constant 0 : i32
    %c0_i32_0 = arith.constant 0 : i32
    return %arg0, %c0_i32 : i32, i32
  }
  func.func @transform_1(%arg0: i32) -> (i32, i32) {
    %c0_i32 = arith.constant 0 : i32
    %c0_i32_0 = arith.constant 0 : i32
    return %arg0, %c0_i32 : i32, i32
  }
  func.func @transform_2(%arg0: i32) -> (i32, i32) {
    %c0_i32 = arith.constant 0 : i32
    %c0_i32_0 = arith.constant 0 : i32
    return %arg0, %c0_i32 : i32, i32
  }
  func.func @transform_3(%arg0: i32) -> (i32, i32) {
    %c0_i32 = arith.constant 0 : i32
    %c0_i32_0 = arith.constant 0 : i32
    return %arg0, %c0_i32 : i32, i32
  }
  func.func @transform_4(%arg0: i32) -> (i32, i32) {
    %c0_i32 = arith.constant 0 : i32
    %c0_i32_0 = arith.constant 0 : i32
    return %arg0, %c0_i32 : i32, i32
  }
  func.func @transform_5(%arg0: i32) -> (i32, i32) {
    %c0_i32 = arith.constant 0 : i32
    %c0_i32_0 = arith.constant 0 : i32
    %c0_i32_1 = arith.constant 0 : i32
    return %c0_i32, %c0_i32_0 : i32, i32
  }
  func.func @transform_6(%arg0: i32) -> (i32, i32) {
    %c0_i32 = arith.constant 0 : i32
    %c0_i32_0 = arith.constant 0 : i32
    %c0_i32_1 = arith.constant 0 : i32
    return %c0_i32, %c0_i32_0 : i32, i32
  }
  func.func @transform_7(%arg0: i32) -> (i32, i32) {
    %c0_i32 = arith.constant 0 : i32
    %c0_i32_0 = arith.constant 0 : i32
    return %arg0, %c0_i32 : i32, i32
  }
  func.func @transform_8(%arg0: i32) -> (i32, i32) {
    %c0_i32 = arith.constant 0 : i32
    %c0_i32_0 = arith.constant 0 : i32
    return %arg0, %c0_i32 : i32, i32
  }
  func.func @transform_9(%arg0: i32) -> (i32, i32) {
    %c0_i32 = arith.constant 0 : i32
    %c0_i32_0 = arith.constant 0 : i32
    return %arg0, %c0_i32 : i32, i32
  }
  func.func @transform_10(%arg0: i32) -> (i32, i32) {
    %c0_i32 = arith.constant 0 : i32
    %c0_i32_0 = arith.constant 0 : i32
    return %arg0, %c0_i32 : i32, i32
  }
}

</mosaic_0001>

<sc_bundles>
// kernel: kernel.6.cloned.1.call-start
scs
__scs_entry_jumppad:
0x0: {  	(pc) =	sbr.rel $0x88, $3  }
0x1: {  	(tag) =	ssettag $0x0;
	lr =	simm.s32 $0x1  }
0x2: {  	[smem:$0x3F83] =	sst lr;
	_ =	strace $0xD0000000  }
0x3: {  	_ = 	snop  }
0x4: {  	_ = 	snop  }
0x5: {  	_ = 	snop  }
0x6: {  	_ = 	snop  }
0x7: {  	_ = 	snop  }
__scs_overlays_trampoline_lowered:
0x8: {  	[smem:$0x3F92] =	sst s0  }
0x9: {  	[smem:$0x3F93] =	sst s1  }
0xa: {  	[smem:$0x3F94] =	sst s2  }
0xb: {  	[smem:$0x3F95] =	sst s3  }
0xc: {  	[smem:$0x3F96] =	sst s4  }
0xd: {  	[smem:$0x3F97] =	sst s5  }
0xe: {  	[smem:$0x3F98] =	sst s6  }
0xf: {  	[smem:$0x3F99] =	sst s7  }
0x10: {  	[smem:$0x3F9A] =	sst s8  }
0x11: {  	[smem:$0x3F9B] =	sst s9;
	s0 =	simm.s32 @!p0 $0x0  }
0x12: {  	s1 =	sld [smem:$0x3F81];
	s0 =	simm.s32 @p0 $0x1  }
0x13: {  	[smem:$0x3F9C] =	sst s0;
	s0 =	simm.s32 @!p1 $0x0  }
0x14: {  	s2 =	sld [smem:$0x3F80];
	s0 =	simm.s32 @p1 $0x1  }
0x15: {  	[smem:$0x3F9D] =	sst s0;
	s0 =	simm.s32 @!p2 $0x0  }
0x16: {  	s3 =	sld [smem:$0x3FDB];
	s0 =	simm.s32 @p2 $0x1  }
0x17: {  	s4 =	simm.s32 $0x1BF5;
	[smem:$0x3F9F] =	sst s0  }
0x18: {  	s0 =	sld [smem:$0x3F82];
	_ =	swait.ge [sflag:s4], $0x0  }
0x19: {  	s7 =	sld [smem:$0x3F83]  }
0x1a: {  	s8 =	sadd.s32 $0xFFFFE003, lr  }
0x1b: {  	s9 =	sadd.s32 $0xFFFFFEF7, lr;
	s5 =	simm.s32 $0xFFFFFFFF;
	p2 =	slt.u32 s8, $0xFFFFF086  }
0x1c: {  	p1 =	slt.u32 s9, $0xF7A;
	s5 =	simm.s32 @!p2 $0x0  }
0x1d: {  	s5 =	simm.s32 @p1 $0x1;
	p0 =	seq.s32 s7, s2  }
0x1e: {  	s7 =	smul.u32 @!p0 $0xF7A, s2;
	p2 =	seq.s32 @!p0 s5, $0x0  }
0x1f: {  	s9 =	smul.u32 $0xF7A, s1;
	s8 =	simm.s32 @!p0 $0x1BF5;
	p2 =	por !p2, p0  }
0x20: {  	[sflag:s8] =	ssyncset.s32 @!p0 $0xFFFFF086;
	s6 =	sadd.s32 @!p0 s3, s7;
	s7 =	simm.s32 @!p0 $0x108  }
0x21: {  	s3 =	sadd.s32 s3, s9;
	s6 =	sadd.s32 @!p0 $0x88, s6;
	s7 =	simm.s32 @p2 $0x1082  }
0x22: {  	[simem:s7], [sflag:s8] =	dma.local @!p0 [hbm:s6], $0xF7A  }
0x23: {  	s9 =	sor.u32 $0xD0000000, s2;
	s6 =	simm.s32 $0x108;
	_ =	swait.ge @!p0 [sflag:s8], $0x0  }
0x24: {  	s3 =	sadd.s32 $0x88, s3;
	s6 =	simm.s32 @!p1 $0x1082;
	[sflag:s4] =	ssyncset.s32 $0xFFFFF086  }
0x25: {  	[simem:s6], [sflag:s4] =	dma.local [hbm:s3], $0xF7A  }
0x26: {  	[smem:$0x3F83] =	sst s1;
	(tag) =	ssettag s2;
	_ =	strace s9  }
0x27: {  	s1 =	sld [smem:$0x3F93]  }
0x28: {  	s2 =	sld [smem:$0x3F94]  }
0x29: {  	s4 =	sld [smem:$0x3F96]  }
0x2a: {  	p0 =	seq.s32 s5, $0x0;
	s5 =	sld [smem:$0x3F97]  }
0x2b: {  	s6 =	sld [smem:$0x3F98]  }
0x2c: {  	s7 =	sld [smem:$0x3F99]  }
0x2d: {  	s3 =	simm.s32 $0x108;
	s8 =	sld [smem:$0x3F9A]  }
0x2e: {  	s3 =	simm.s32 @!p0 $0x1082;
	s9 =	sld [smem:$0x3F9B]  }
0x2f: {  	lr =	sadd.s32 s0, s3;
	s0 =	sld [smem:$0x3F92]  }
0x30: {  	s3 =	sld [smem:$0x3F95]  }
0x31: {  	[smem:$0x3F9E] =	sst s10  }
0x32: {  	s10 =	sld [smem:$0x3F9C];
	_ =	sdelay $0x3  }
0x33: {  	p0 =	seq.s32 s10, $0x1;
	s10 =	sld [smem:$0x3F9E];
	_ =	sdelay $0x3  }
0x34: {  	[smem:$0x3F9E] =	sst s10  }
0x35: {  	s10 =	sld [smem:$0x3F9D];
	_ =	sdelay $0x3  }
0x36: {  	p1 =	seq.s32 s10, $0x1;
	s10 =	sld [smem:$0x3F9E];
	_ =	sdelay $0x3  }
0x37: {  	[smem:$0x3F9E] =	sst s10  }
0x38: {  	s10 =	sld [smem:$0x3F9F]  }
0x39: {  	_ = 	snop;
	(pc) =	sbr.ind lr, $3  }
0x3a: {  	_ = 	snop  }
0x3b: {  	_ = 	snop  }
0x3c: {  	p2 =	seq.s32 s10, $0x1;
	s10 =	sld [smem:$0x3F9E]  }
0x3d: {  	_ =	shalt  }
0x3e: {  	_ =	shalt  }
0x3f: {  	_ =	shalt  }
0x40: {  	_ =	shalt  }
0x41: {  	_ =	shalt  }
0x42: {  	_ =	shalt  }
0x43: {  	_ =	shalt  }
0x44: {  	_ =	shalt  }
0x45: {  	_ =	shalt  }
0x46: {  	_ =	shalt  }
0x47: {  	_ =	shalt  }
0x48: {  	_ =	shalt  }
0x49: {  	_ =	shalt  }
0x4a: {  	_ =	shalt  }
0x4b: {  	_ =	shalt  }
0x4c: {  	_ =	shalt  }
0x4d: {  	_ =	shalt  }
0x4e: {  	_ =	shalt  }
0x4f: {  	_ =	shalt  }
0x50: {  	_ =	shalt  }
0x51: {  	_ =	shalt  }
0x52: {  	_ =	shalt  }
0x53: {  	_ =	shalt  }
0x54: {  	_ =	shalt  }
0x55: {  	_ =	shalt  }
0x56: {  	_ =	shalt  }
0x57: {  	_ =	shalt  }
0x58: {  	_ =	shalt  }
0x59: {  	_ =	shalt  }
0x5a: {  	_ =	shalt  }
0x5b: {  	_ =	shalt  }
0x5c: {  	_ =	shalt  }
0x5d: {  	_ =	shalt  }
0x5e: {  	_ =	shalt  }
0x5f: {  	_ =	shalt  }
0x60: {  	_ =	shalt  }
0x61: {  	_ =	shalt  }
0x62: {  	_ =	shalt  }
0x63: {  	_ =	shalt  }
0x64: {  	_ =	shalt  }
0x65: {  	_ =	shalt  }
0x66: {  	_ =	shalt  }
0x67: {  	_ =	shalt  }
0x68: {  	_ =	shalt  }
0x69: {  	_ =	shalt  }
0x6a: {  	_ =	shalt  }
0x6b: {  	_ =	shalt  }
0x6c: {  	_ =	shalt  }
0x6d: {  	_ =	shalt  }
0x6e: {  	_ =	shalt  }
0x6f: {  	_ =	shalt  }
0x70: {  	_ =	shalt  }
0x71: {  	_ =	shalt  }
0x72: {  	_ =	shalt  }
0x73: {  	_ =	shalt  }
0x74: {  	_ =	shalt  }
0x75: {  	_ =	shalt  }
0x76: {  	_ =	shalt  }
0x77: {  	_ =	shalt  }
0x78: {  	_ =	shalt  }
0x79: {  	_ =	shalt  }
0x7a: {  	_ =	shalt  }
0x7b: {  	_ =	shalt  }
0x7c: {  	_ =	shalt  }
0x7d: {  	_ =	shalt  }
0x7e: {  	_ =	shalt  }
0x7f: {  	_ =	shalt  }
0x80: {  	_ =	shalt  }
0x81: {  	_ =	shalt  }
0x82: {  	_ =	shalt  }
0x83: {  	_ =	shalt  }
0x84: {  	_ =	shalt  }
0x85: {  	_ =	shalt  }
0x86: {  	_ =	shalt  }
0x87: {  	_ =	shalt  }
.Lfunc_end0:
.L_simem_size_0:
called_computation_lowered:
.L_overlay_start_0:
0x88: {  	s0 =	sld [smem:$0x3FD9]  }
0x89: {  	s1 =	sld [smem:$0x3FFE];
	_ =	sdelay $0x3  }
0x8a: {  	s0 =	sadd.s32 s1, s0  }
0x8b: {  	[smem:$0x3FAA] =	sst s0  }
0x8c: {  	_ = 	snop  }
0x8d: {  	s0 =	sld [smem:$0x3FD0];
	_ =	sdelay $0x2  }
0x8e: {  	s13 =	simm.s32 $0xA;
	s2 =	simm.s32 $0x10  }
0x8f: {  	[smem:s2], [sflag:s13] =	dma.local [hbm:s0], $0x1  }
0x90: {  	_ =	swait.eq [sflag:s13], $0x1  }
0x91: {  	[sflag:s13] =	ssyncset.done $0x0  }
0x92: {  	[sflag:s13] =	ssyncadd.s32 $0xFFFFFFFF  }
0x93: {  	s14 =	sld [smem:$0x10];
	(tm) =	ssettm $0x1  }
0x94: {  	s15 =	sld [smem:$0x3FFB];
	_ =	sdelay $0x3  }
0x95: {  	_ =	strace s15  }
0x96: {  	s1 =	sld [smem:$0x3FFC];
	_ =	sdelay $0x3  }
0x97: {  	_ =	strace s1  }
0x98: {  	s1 =	sld [smem:$0x3FFD];
	_ =	sdelay $0x3  }
0x99: {  	_ =	strace s1  }
0x9a: {  	_ =	strace $0x8FFFFFFF  }
0x9b: {  	s16 =	sld [smem:$0x3FDB];
	_ =	sdelay $0x1  }
0x9c: {  	s17 =	simm.s32 $_scs_section_size  }
0x9d: {  	s3 =	simm.s32 $_size__tile_overlayer_lowered;
	s4 =	simm.s32 $_tile_overlayer_lowered  }
0x9e: {  	s20 =	simm.s32 $0x1BFF;
	s19 =	sshll.u32 s4, $0x1;
	s1 =	sadd.s32 s17, s16  }
0x9f: {  	s5 =	simm.s32 $0x0;
	s18 =	sshll.u32 s3, $0x1;
	s3 =	sadd.s32 s19, s1  }
0xa0: {  	[timem:s5], [sflag:s20] =	dma.local [hbm:s3], s18  }
0xa1: {  	_ =	swait.ge [sflag:s20], s18  }
0xa2: {  	s2 =	ssub.s32 $0x0, s18;
	[sflag:s20] =	ssyncset.done $0x0  }
0xa3: {  	[sflag:s20] =	ssyncadd.s32 s2;
	_ =	sdelay $0x1  }
0xa4: {  	s21 =	simm.s32 $0x1B8B  }
0xa5: {  	_ =	swait.ge [sflag:s21], $0x1  }
0xa6: {  	[sflag:s21] =	ssyncset.done $0x0  }
0xa7: {  	s23 =	simm.s32 $0x1B8E;
	s22 =	sld [smem:$0x3FFE];
	[sflag:s21] =	ssyncadd.s32 $0xFFFFFFFF  }
0xa8: {  	s24 =	simm.s32 $execute0_lowered;
	[smem:$0x3FD2] =	sst s23  }
0xa9: {  	s3 =	sshll.u32 s24, $0x1;
	_ =	strace $0x80000046;
	[dreg:$0x1] =	wrdreg $0xFFFFFFFF  }
0xaa: {  	s25 =	simm.s32 $_size_execute0_lowered;
	s1 =	sadd.s32 s1, s3;
	[dreg:$0x0] =	wrdreg $0x0  }
0xab: {  	s3 =	sshll.u32 s25, $0x1;
	[dreg:$0x2] =	wrdreg s1  }
0xac: {  	[dreg:$0x3] =	wrdreg s3  }
0xad: {  	[dreg:$0x4] =	wrdreg $0xC0  }
0xae: {  	_ =	task [dreg:s5], $0x5FFFF  }
0xaf: {  	[dreg:$0x1] =	wrdreg $0xFFFFFFFF  }
0xb0: {  	[dreg:$0x0] =	wrdreg $0x60  }
0xb1: {  	[dreg:$0x2] =	wrdreg s22  }
0xb2: {  	[dreg:$0x3] =	wrdreg s14  }
0xb3: {  	[dreg:$0x4] =	wrdreg $0x158000  }
0xb4: {  	[dreg:$0x5] =	wrdreg $0x180000  }
0xb5: {  	[dreg:$0x6] =	wrdreg $0x130000  }
0xb6: {  	[dreg:$0x7] =	wrdreg $0x9  }
0xb7: {  	_ =	task.clear_ibuf [dreg:s5], $0x8FFFF;
	_ =	strace $0x90000046  }
0xb8: {  	s26 =	simm.s32 $0x9;
	_ =	strace $0x80000048  }
0xb9: {  	_ =	swait.ge [sflag:s26], $0x1  }
0xba: {  	[sflag:s26] =	ssyncadd.s32 $0xFFFFFFFF  }
0xbb: {  	_ =	strace $0x90000048  }
0xbc: {  	_ =	sfence  }
0xbd: {  	s28 =	sld [smem:$0x0];
	_ =	sdelay $0x1  }
0xbe: {  	s29 =	srdreg.scid  }
0xbf: {  	s30 =	sshll.u32 s29, $0xD;
	s31 =	sshrl.u32 s29, $0x2  }
0xc0: {  	s2 =	sand.u32 $0x4000, s30;
	s1 =	sand.u32 $0x1, s29;
	s0 =	sadd.s32 s31, s28  }
0xc1: {  	s1 =	sor.u32 s2, s1;
	s0 =	sshll.u32 s0, $0x11  }
0xc2: {  	s0 =	sor.u32 s0, s1  }
0xc3: {  	s0 =	sadd.s32 $0x8F2B, s0  }
0xc4: {  	[sflag:s0] =	ssyncadd.remote.s32 $0x1  }
0xc5: {  	_ =	sfence.sel $0xFFFF  }
0xc6: {  	[dreg:$0x0] =	wrdreg $0xFFFFFFFF;
	(pc) =	sbr.abs _section_cstart, $3  }
0xc7: {  	[dreg:$0x1] =	wrdreg $0xFFFFFFFF  }
0xc8: {  	_ =	task.clear_ibuf [dreg:s5], $0x2FFFF;
	_ =	strace $0x9FFFFFFF  }
0xc9: {  	(tm) =	ssettm $0x7FFFFFFF  }
tec
execute0_lowered:
.L_overlay_start_1:
0x0: {  	(tag) =	ssettag $0x1  }
0x1: {  	s6 =	rddreg [dreg:$0x0]  }
0x2: {  	s9 =	rddreg [dreg:$0x1]  }
0x3: {  	s2 =	rddreg [dreg:$0x2]  }
0x4: {  	s7 =	rddreg [dreg:$0x3];
	s0 =	stileid.u32  }
0x5: {  	s4 =	rddreg [dreg:$0x4];
	s3 =	smul.u32 $0x500, s0  }
0x6: {  	s1 =	rddreg [dreg:$0x5];
	s13 =	simm.s32 $0x0  }
0x7: {  	[smem:$0x7FF] =	sst s13;
	s3 =	sadd.s32 s3, s6  }
0x8: {  	s14 =	simm.s32 $0x3;
	_ =	strace $0x80000047;
	s5 =	sadd.s32 $0xD800, s3  }
0x9: {  	[tilespmem:s13], [sflag:$0x3] =	stream.linear.gather [hbm4b:s5+s13], $0x2800, $0x38;
	[tilespmem:$0x1A800] =	vst v63  }
0xa: {  	_ =	swait.ge [sflag:s14], $0x2800  }
0xb: {  	s16 =	simm.s32 $0x2800;
	[sflag:s14] =	ssyncset.done $0x0  }
0xc: {  	s10 =	smul.u32 $0x2800, s0;
	s3 =	sadd.s32 $0x8800, s3;
	[sflag:s14] =	ssyncadd.s32 $0xFFFFD800  }
0xd: {  	[tilespmem:s16], [sflag:$0x3] =	stream.linear.gather [hbm4b:s3+s13], $0x2800, $0x38;
	[tilespmem:$0x1A800] =	vst v63  }
0xe: {  	_ =	swait.ge [sflag:s14], $0x2800  }
0xf: {  	s21 =	sshll.u32 s0, $0x6;
	s3 =	sadd.s32 s10, s2;
	[sflag:s14] =	ssyncset.done $0x0  }
0x10: {  	s11 =	sor.u32 $0x1C03, s21;
	s12 =	sshrl.u32 s3, $0x3;
	[sflag:s14] =	ssyncadd.s32 $0xFFFFD800  }
0x11: {  	[spmem:s12], [sflag:s11] =	dma.local [hbm:s9], $0x500  }
0x12: {  	_ =	swait.ge [sflag:s14], $0x500  }
0x13: {  	s8 =	sadd.s32 s10, s7;
	[sflag:s14] =	ssyncset.done $0x0  }
0x14: {  	s22 =	sshrl.u32 s8, $0x3;
	[sflag:s14] =	ssyncadd.s32 $0xFFFFFB00  }
0x15: {  	[spmem:s22], [sflag:s11] =	dma.local [hbm:s9], $0x500  }
0x16: {  	_ =	swait.ge [sflag:s14], $0x500  }
0x17: {  	[sflag:s14] =	ssyncset.done $0x0  }
0x18: {  	s15 =	sadd.s32 $0x12800, s6;
	s5 =	simm.s32 $0x5000;
	[sflag:s14] =	ssyncadd.s32 $0xFFFFFB00  }
0x19: {  	[tilespmem:s5], [sflag:$0x3] =	stream.linear.gather [hbm4b:s15+s13], $0x2000, $0x38;
	[tilespmem:$0x1A800] =	vst v63  }
0x1a: {  	_ =	swait.ge [sflag:s14], $0x2000  }
0x1b: {  	[sflag:s14] =	ssyncset.done $0x0  }
0x1c: {  	[sflag:s14] =	ssyncadd.s32 $0xFFFFE000  }
0x1d: {  	s15 =	simm.s32 $0x200;
	[bflag:$0x0] =	sbarrier.arrive $0xFFFF  }
0x1e: {  	[spmem:s2] =	stream.indirect.scatter.add.f32 [tilespmem:s5], [sflag:$0x3], $0x10, s16, s15, $0xb8;
	[tilespmem:$0x1A800] =	vst v63  }
0x1f: {  	_ =	swait.ge [sflag:s14], $0x2000  }
0x20: {  	[sflag:s14] =	ssyncset.done $0x0  }
0x21: {  	s23 =	simm.s32 $0x2A00;
	[sflag:s14] =	ssyncadd.s32 $0xFFFFE000  }
0x22: {  	[spmem:s2] =	stream.indirect.scatter.add.f32 [tilespmem:s5], [sflag:$0x3], $0x10, s23, s15, $0xb8;
	[tilespmem:$0x1A800] =	vst v63  }
0x23: {  	_ =	swait.ge [sflag:s14], $0x2000  }
0x24: {  	[sflag:s14] =	ssyncset.done $0x0  }
0x25: {  	s24 =	simm.s32 $0x2C00;
	[sflag:s14] =	ssyncadd.s32 $0xFFFFE000  }
0x26: {  	[spmem:s2] =	stream.indirect.scatter.add.f32 [tilespmem:s5], [sflag:$0x3], $0x10, s24, s15, $0xb8;
	[tilespmem:$0x1A800] =	vst v63  }
0x27: {  	_ =	swait.ge [sflag:s14], $0x2000  }
0x28: {  	[sflag:s14] =	ssyncset.done $0x0  }
0x29: {  	s25 =	simm.s32 $0x2E00;
	[sflag:s14] =	ssyncadd.s32 $0xFFFFE000  }
0x2a: {  	[spmem:s2] =	stream.indirect.scatter.add.f32 [tilespmem:s5], [sflag:$0x3], $0x10, s25, s15, $0xb8;
	[tilespmem:$0x1A800] =	vst v63  }
0x2b: {  	_ =	swait.ge [sflag:s14], $0x2000  }
0x2c: {  	[sflag:s14] =	ssyncset.done $0x0  }
0x2d: {  	s26 =	simm.s32 $0x3000;
	[sflag:s14] =	ssyncadd.s32 $0xFFFFE000  }
0x2e: {  	[spmem:s2] =	stream.indirect.scatter.add.f32 [tilespmem:s5], [sflag:$0x3], $0x10, s26, s15, $0xb8;
	[tilespmem:$0x1A800] =	vst v63  }
0x2f: {  	_ =	swait.ge [sflag:s14], $0x2000  }
0x30: {  	[sflag:s14] =	ssyncset.done $0x0  }
0x31: {  	s28 =	simm.s32 $0x3200;
	[sflag:s14] =	ssyncadd.s32 $0xFFFFE000  }
0x32: {  	[spmem:s2] =	stream.indirect.scatter.add.f32 [tilespmem:s5], [sflag:$0x3], $0x10, s28, s15, $0xb8;
	[tilespmem:$0x1A800] =	vst v63  }
0x33: {  	_ =	swait.ge [sflag:s14], $0x2000  }
0x34: {  	[sflag:s14] =	ssyncset.done $0x0  }
0x35: {  	s29 =	simm.s32 $0x3400;
	[sflag:s14] =	ssyncadd.s32 $0xFFFFE000  }
0x36: {  	[spmem:s2] =	stream.indirect.scatter.add.f32 [tilespmem:s5], [sflag:$0x3], $0x10, s29, s15, $0xb8;
	[tilespmem:$0x1A800] =	vst v63  }
0x37: {  	_ =	swait.ge [sflag:s14], $0x2000  }
0x38: {  	[sflag:s14] =	ssyncset.done $0x0  }
0x39: {  	s30 =	simm.s32 $0x3600;
	[sflag:s14] =	ssyncadd.s32 $0xFFFFE000  }
0x3a: {  	[spmem:s2] =	stream.indirect.scatter.add.f32 [tilespmem:s5], [sflag:$0x3], $0x10, s30, s15, $0xb8;
	[tilespmem:$0x1A800] =	vst v63  }
0x3b: {  	_ =	swait.ge [sflag:s14], $0x2000  }
0x3c: {  	[sflag:s14] =	ssyncset.done $0x0  }
0x3d: {  	s31 =	simm.s32 $0x3800;
	[sflag:s14] =	ssyncadd.s32 $0xFFFFE000  }
0x3e: {  	[spmem:s2] =	stream.indirect.scatter.add.f32 [tilespmem:s5], [sflag:$0x3], $0x10, s31, s15, $0xb8;
	[tilespmem:$0x1A800] =	vst v63  }
0x3f: {  	_ =	swait.ge [sflag:s14], $0x2000  }
0x40: {  	[sflag:s14] =	ssyncset.done $0x0  }
0x41: {  	s17 =	simm.s32 $0x3A00;
	[sflag:s14] =	ssyncadd.s32 $0xFFFFE000  }
0x42: {  	[spmem:s2] =	stream.indirect.scatter.add.f32 [tilespmem:s5], [sflag:$0x3], $0x10, s17, s15, $0xb8;
	[tilespmem:$0x1A800] =	vst v63  }
0x43: {  	_ =	swait.ge [sflag:s14], $0x2000  }
0x44: {  	[sflag:s14] =	ssyncset.done $0x0  }
0x45: {  	s18 =	simm.s32 $0x3C00;
	[sflag:s14] =	ssyncadd.s32 $0xFFFFE000  }
0x46: {  	[spmem:s2] =	stream.indirect.scatter.add.f32 [tilespmem:s5], [sflag:$0x3], $0x10, s18, s15, $0xb8;
	[tilespmem:$0x1A800] =	vst v63  }
0x47: {  	_ =	swait.ge [sflag:s14], $0x2000  }
0x48: {  	[sflag:s14] =	ssyncset.done $0x0  }
0x49: {  	s19 =	simm.s32 $0x3E00;
	[sflag:s14] =	ssyncadd.s32 $0xFFFFE000  }
0x4a: {  	[spmem:s2] =	stream.indirect.scatter.add.f32 [tilespmem:s5], [sflag:$0x3], $0x10, s19, s15, $0xb8;
	[tilespmem:$0x1A800] =	vst v63  }
0x4b: {  	_ =	swait.ge [sflag:s14], $0x2000  }
0x4c: {  	[sflag:s14] =	ssyncset.done $0x0  }
0x4d: {  	s20 =	simm.s32 $0x4000;
	[sflag:s14] =	ssyncadd.s32 $0xFFFFE000  }
0x4e: {  	[spmem:s2] =	stream.indirect.scatter.add.f32 [tilespmem:s5], [sflag:$0x3], $0x10, s20, s15, $0xb8;
	[tilespmem:$0x1A800] =	vst v63  }
0x4f: {  	_ =	swait.ge [sflag:s14], $0x2000  }
0x50: {  	[sflag:s14] =	ssyncset.done $0x0  }
0x51: {  	s21 =	simm.s32 $0x4200;
	[sflag:s14] =	ssyncadd.s32 $0xFFFFE000  }
0x52: {  	[spmem:s2] =	stream.indirect.scatter.add.f32 [tilespmem:s5], [sflag:$0x3], $0x10, s21, s15, $0xb8;
	[tilespmem:$0x1A800] =	vst v63  }
0x53: {  	_ =	swait.ge [sflag:s14], $0x2000  }
0x54: {  	[sflag:s14] =	ssyncset.done $0x0  }
0x55: {  	s22 =	simm.s32 $0x4400;
	[sflag:s14] =	ssyncadd.s32 $0xFFFFE000  }
0x56: {  	[spmem:s2] =	stream.indirect.scatter.add.f32 [tilespmem:s5], [sflag:$0x3], $0x10, s22, s15, $0xb8;
	[tilespmem:$0x1A800] =	vst v63  }
0x57: {  	_ =	swait.ge [sflag:s14], $0x2000  }
0x58: {  	[sflag:s14] =	ssyncset.done $0x0  }
0x59: {  	s23 =	simm.s32 $0x4600;
	[sflag:s14] =	ssyncadd.s32 $0xFFFFE000  }
0x5a: {  	[spmem:s2] =	stream.indirect.scatter.add.f32 [tilespmem:s5], [sflag:$0x3], $0x10, s23, s15, $0xb8;
	[tilespmem:$0x1A800] =	vst v63  }
0x5b: {  	_ =	swait.ge [sflag:s14], $0x2000  }
0x5c: {  	[sflag:s14] =	ssyncset.done $0x0  }
0x5d: {  	s24 =	simm.s32 $0x4800;
	[sflag:s14] =	ssyncadd.s32 $0xFFFFE000  }
0x5e: {  	[spmem:s2] =	stream.indirect.scatter.add.f32 [tilespmem:s5], [sflag:$0x3], $0x10, s24, s15, $0xb8;
	[tilespmem:$0x1A800] =	vst v63  }
0x5f: {  	_ =	swait.ge [sflag:s14], $0x2000  }
0x60: {  	[sflag:s14] =	ssyncset.done $0x0  }
0x61: {  	s25 =	simm.s32 $0x4A00;
	[sflag:s14] =	ssyncadd.s32 $0xFFFFE000  }
0x62: {  	[spmem:s2] =	stream.indirect.scatter.add.f32 [tilespmem:s5], [sflag:$0x3], $0x10, s25, s15, $0xb8;
	[tilespmem:$0x1A800] =	vst v63  }
0x63: {  	_ =	swait.ge [sflag:s14], $0x2000  }
0x64: {  	[sflag:s14] =	ssyncset.done $0x0  }
0x65: {  	s26 =	simm.s32 $0x4C00;
	[sflag:s14] =	ssyncadd.s32 $0xFFFFE000  }
0x66: {  	[spmem:s2] =	stream.indirect.scatter.add.f32 [tilespmem:s5], [sflag:$0x3], $0x10, s26, s15, $0xb8;
	[tilespmem:$0x1A800] =	vst v63  }
0x67: {  	_ =	swait.ge [sflag:s14], $0x2000  }
0x68: {  	[sflag:s14] =	ssyncset.done $0x0  }
0x69: {  	s28 =	simm.s32 $0x4E00;
	[sflag:s14] =	ssyncadd.s32 $0xFFFFE000  }
0x6a: {  	[spmem:s2] =	stream.indirect.scatter.add.f32 [tilespmem:s5], [sflag:$0x3], $0x10, s28, s15, $0xb8;
	[tilespmem:$0x1A800] =	vst v63  }
0x6b: {  	_ =	swait.ge [sflag:s14], $0x2000  }
0x6c: {  	[sflag:s14] =	ssyncset.done $0x0  }
0x6d: {  	[sflag:s14] =	ssyncadd.s32 $0xFFFFE000  }
0x6e: {  	s29 =	simm.s32 $0xB800;
	[bflag:$0x0] =	sbarrier.arrive $0xFFFF  }
0x6f: {  	[tilespmem:s29], [sflag:$0x3] =	stream.linear.gather [spmem:s3], $0x2800, $0x38;
	[tilespmem:$0x1A800] =	vst v63  }
0x70: {  	s5 =	sshrl.u32 s10, $0x3;
	_ =	swait.ge [sflag:s14], $0x2800  }
0x71: {  	s30 =	sadd.s32 s5, s6;
	[sflag:s14] =	ssyncset.done $0x0  }
0x72: {  	s31 =	simm.s32 $0x9000;
	s15 =	sadd.s32 $0x3800, s30;
	[sflag:s14] =	ssyncadd.s32 $0xFFFFD800  }
0x73: {  	[tilespmem:s31], [sflag:$0x3] =	stream.linear.gather [hbm4b:s15+s13], $0x2800, $0x38;
	[tilespmem:$0x1A800] =	vst v63  }
0x74: {  	_ =	swait.ge [sflag:s14], $0x2800  }
0x75: {  	[sflag:s14] =	ssyncset.done $0x0  }
0x76: {  	s13 =	simm.s32 $0x0;
	[sflag:s14] =	ssyncadd.s32 $0xFFFFD800  }
0x77: {  	v0 =	vld [tilespmem:s13+$0xB800];
	_ =	sdelay $0x4  }
0x78: {  	v0 =	vadd.f32 $1.000000000e+00, v0;
	_ =	sdelay $0x1  }
0x79: {  	v1 =	vshrl.u32 v0, $0x1;
	v0 =	vmul.f32 $5.000000000e-01, v0  }
0x7a: {  	v1 =	vsub.s32 $0x5F3759DF, v1  }
0x7b: {  	v2 =	vmul.f32 v1, v0;
	_ =	sdelay $0x1  }
0x7c: {  	v2 =	vmul.f32 v1, v2;
	_ =	sdelay $0x1  }
0x7d: {  	v2 =	vsub.f32 $1.500000000e+00, v2;
	_ =	sdelay $0x1  }
0x7e: {  	v1 =	vmul.f32 v1, v2;
	_ =	sdelay $0x1  }
0x7f: {  	v2 =	vmul.f32 v1, v0;
	_ =	sdelay $0x1  }
0x80: {  	v2 =	vmul.f32 v2, v1;
	_ =	sdelay $0x1  }
0x81: {  	v2 =	vsub.f32 $1.500000000e+00, v2;
	_ =	sdelay $0x1  }
0x82: {  	v1 =	vmul.f32 v2, v1;
	_ =	sdelay $0x1  }
0x83: {  	v0 =	vmul.f32 v1, v0;
	_ =	sdelay $0x1  }
0x84: {  	v0 =	vmul.f32 v0, v1;
	_ =	sdelay $0x1  }
0x85: {  	v2 =	vsub.f32 $1.500000000e+00, v0;
	v0 =	vld [tilespmem:s13+$0x9000];
	_ =	sdelay $0x2  }
0x86: {  	s6 =	sadd.s32 $0x12C00, s6;
	s15 =	simm.s32 $0x80;
	s14 =	simm.s32 $0x40;
	v1 =	vmul.f32 v2, v1  }
.LBB2_1:
0x87: {  	p0 =	sne.s32 s15, $0x9FC0  }
0x88: {  	s16 =	sshra.s32 s14, $0x2;
	s14 =	smov.u32 s15;
	[tilespmem:s13+$0xB800] =	vst v1;
	v0 =	vmul.f32 v1, v0  }
0x89: {  	v1 =	vld [tilespmem:s16+$0xB800]  }
0x8a: {  	[tilespmem:s13+$0x9000] =	vst v0;
	s13 =	smov.u32 s16;
	_ =	sdelay $0x3  }
0x8b: {  	v0 =	vadd.f32 $1.000000000e+00, v1;
	_ =	sdelay $0x1  }
0x8c: {  	v1 =	vshrl.u32 v0, $0x1;
	v0 =	vmul.f32 $5.000000000e-01, v0  }
0x8d: {  	v1 =	vsub.s32 $0x5F3759DF, v1  }
0x8e: {  	v2 =	vmul.f32 v1, v0;
	_ =	sdelay $0x1  }
0x8f: {  	v2 =	vmul.f32 v1, v2;
	_ =	sdelay $0x1  }
0x90: {  	v2 =	vsub.f32 $1.500000000e+00, v2;
	_ =	sdelay $0x1  }
0x91: {  	v1 =	vmul.f32 v1, v2;
	_ =	sdelay $0x1  }
0x92: {  	v2 =	vmul.f32 v1, v0;
	_ =	sdelay $0x1  }
0x93: {  	v2 =	vmul.f32 v2, v1;
	_ =	sdelay $0x1  }
0x94: {  	v2 =	vsub.f32 $1.500000000e+00, v2;
	_ =	sdelay $0x1  }
0x95: {  	v1 =	vmul.f32 v2, v1;
	_ =	sdelay $0x1  }
0x96: {  	v0 =	vmul.f32 v1, v0;
	_ =	sdelay $0x1  }
.Ltmp0:
0x97: {  	v2 =	vmul.f32 v0, v1;
	(pc) =	sbr.rel @p0 .LBB2_1-.Ltmp0, $3  }
0x98: {  	v0 =	vld [tilespmem:s13+$0x9000]  }
0x99: {  	v2 =	vsub.f32 $1.500000000e+00, v2;
	_ =	sdelay $0x1  }
0x9a: {  	s15 =	sadd.s32 $0x40, s15;
	v1 =	vmul.f32 v2, v1  }
0x9b: {  	_ = 	snop  }
0x9c: {  	s14 =	sshra.s32 s14, $0x2;
	[tilespmem:s13+$0xB800] =	vst v1  }
0x9d: {  	v2 =	vld [tilespmem:s14+$0xB800];
	_ =	sdelay $0x4  }
0x9e: {  	v2 =	vadd.f32 $1.000000000e+00, v2;
	_ =	sdelay $0x1  }
0x9f: {  	v3 =	vshrl.u32 v2, $0x1;
	v2 =	vmul.f32 $5.000000000e-01, v2  }
0xa0: {  	v3 =	vsub.s32 $0x5F3759DF, v3  }
0xa1: {  	v4 =	vmul.f32 v3, v2;
	_ =	sdelay $0x1  }
0xa2: {  	v4 =	vmul.f32 v3, v4;
	_ =	sdelay $0x1  }
0xa3: {  	v4 =	vsub.f32 $1.500000000e+00, v4;
	_ =	sdelay $0x1  }
0xa4: {  	v3 =	vmul.f32 v3, v4;
	_ =	sdelay $0x1  }
0xa5: {  	v4 =	vmul.f32 v3, v2;
	_ =	sdelay $0x1  }
0xa6: {  	v4 =	vmul.f32 v4, v3;
	_ =	sdelay $0x1  }
0xa7: {  	v4 =	vsub.f32 $1.500000000e+00, v4;
	_ =	sdelay $0x1  }
0xa8: {  	v3 =	vmul.f32 v4, v3;
	_ =	sdelay $0x1  }
0xa9: {  	v0 =	vmul.f32 v1, v0;
	v1 =	vmul.f32 v3, v2;
	_ =	sdelay $0x1  }
0xaa: {  	[tilespmem:s13+$0x9000] =	vst v0;
	v0 =	vmul.f32 v1, v3  }
0xab: {  	v1 =	vld [tilespmem:s14+$0x9000]  }
0xac: {  	v0 =	vsub.f32 $1.500000000e+00, v0;
	_ =	sdelay $0x1  }
0xad: {  	v0 =	vmul.f32 v0, v3;
	_ =	sdelay $0x1  }
0xae: {  	v1 =	vmul.f32 v0, v1  }
0xaf: {  	[tilespmem:s14+$0xB800] =	vst v0  }
0xb0: {  	s10 =	sadd.s32 s10, s4;
	s20 =	simm.s32 $0x9000;
	s13 =	simm.s32 $0x3;
	[tilespmem:s14+$0x9000] =	vst v1  }
0xb1: {  	[spmem:s10] =	stream.linear.scatter [tilespmem:s20], [sflag:$0x3], $0x2800, $0x38;
	[tilespmem:$0x1A800] =	vst v63  }
0xb2: {  	_ =	swait.ge [sflag:s13], $0x2800  }
0xb3: {  	[sflag:s13] =	ssyncset.done $0x0  }
0xb4: {  	[sflag:s13] =	ssyncadd.s32 $0xFFFFD800  }
0xb5: {  	[spmem:s12], [sflag:s11] =	dma.local [hbm:s9], $0x500  }
0xb6: {  	_ =	swait.ge [sflag:s13], $0x500  }
0xb7: {  	[sflag:s13] =	ssyncset.done $0x0  }
0xb8: {  	s21 =	simm.s32 $0x0;
	[sflag:s13] =	ssyncadd.s32 $0xFFFFFB00  }
0xb9: {  	s9 =	simm.s32 $0x200;
	s12 =	simm.s32 $0x5000;
	[bflag:$0x0] =	sbarrier.arrive $0xFFFF  }
0xba: {  	[tilespmem:s12], [sflag:$0x1] =	stream.indirect.gather [spmem:s4], $0x10, s21, s9, $0xb8;
	[tilespmem:$0x1A800] =	vst v63  }
0xbb: {  	s14 =	simm.s32 $0x1;
	s11 =	simm.s32 $0x7000  }
0xbc: {  	[tilespmem:s11], [sflag:$0x2] =	stream.indirect.gather [spmem:s4], $0x10, s9, s9, $0xb8;
	[tilespmem:$0x1A800] =	vst v63  }
0xbd: {  	_ =	swait.ge [sflag:s14], $0x2000  }
0xbe: {  	[sflag:s14] =	ssyncset.done $0x0  }
0xbf: {  	s15 =	simm.s32 $0x2800;
	[sflag:s14] =	ssyncadd.s32 $0xFFFFE000  }
0xc0: {  	[spmem:s7] =	stream.indirect.scatter.add.f32 [tilespmem:s12], [sflag:$0x3], $0x10, s15, s9, $0xb8;
	[tilespmem:$0x1A800] =	vst v63  }
0xc1: {  	_ =	swait.ge [sflag:s13], $0x2000  }
0xc2: {  	[sflag:s13] =	ssyncset.done $0x0  }
0xc3: {  	s22 =	simm.s32 $0x400;
	s15 =	simm.s32 $0x2;
	[sflag:s13] =	ssyncadd.s32 $0xFFFFE000  }
0xc4: {  	[tilespmem:s12], [sflag:$0x1] =	stream.indirect.gather [spmem:s4], $0x10, s22, s9, $0xb8;
	[tilespmem:$0x1A800] =	vst v63  }
0xc5: {  	_ =	swait.ge [sflag:s15], $0x2000  }
0xc6: {  	[sflag:s15] =	ssyncset.done $0x0  }
0xc7: {  	s16 =	simm.s32 $0x2A00;
	[sflag:s15] =	ssyncadd.s32 $0xFFFFE000  }
0xc8: {  	[spmem:s7] =	stream.indirect.scatter.add.f32 [tilespmem:s11], [sflag:$0x3], $0x10, s16, s9, $0xb8;
	[tilespmem:$0x1A800] =	vst v63  }
0xc9: {  	_ =	swait.ge [sflag:s13], $0x2000  }
0xca: {  	[sflag:s13] =	ssyncset.done $0x0  }
0xcb: {  	s23 =	simm.s32 $0x600;
	[sflag:s13] =	ssyncadd.s32 $0xFFFFE000  }
0xcc: {  	[tilespmem:s11], [sflag:$0x2] =	stream.indirect.gather [spmem:s4], $0x10, s23, s9, $0xb8;
	[tilespmem:$0x1A800] =	vst v63  }
0xcd: {  	_ =	swait.ge [sflag:s14], $0x2000  }
0xce: {  	[sflag:s14] =	ssyncset.done $0x0  }
0xcf: {  	s24 =	simm.s32 $0x2C00;
	[sflag:s14] =	ssyncadd.s32 $0xFFFFE000  }
0xd0: {  	[spmem:s7] =	stream.indirect.scatter.add.f32 [tilespmem:s12], [sflag:$0x3], $0x10, s24, s9, $0xb8;
	[tilespmem:$0x1A800] =	vst v63  }
0xd1: {  	_ =	swait.ge [sflag:s13], $0x2000  }
0xd2: {  	[sflag:s13] =	ssyncset.done $0x0  }
0xd3: {  	s25 =	simm.s32 $0x800;
	[sflag:s13] =	ssyncadd.s32 $0xFFFFE000  }
0xd4: {  	[tilespmem:s12], [sflag:$0x1] =	stream.indirect.gather [spmem:s4], $0x10, s25, s9, $0xb8;
	[tilespmem:$0x1A800] =	vst v63  }
0xd5: {  	_ =	swait.ge [sflag:s15], $0x2000  }
0xd6: {  	[sflag:s15] =	ssyncset.done $0x0  }
0xd7: {  	s26 =	simm.s32 $0x2E00;
	[sflag:s15] =	ssyncadd.s32 $0xFFFFE000  }
0xd8: {  	[spmem:s7] =	stream.indirect.scatter.add.f32 [tilespmem:s11], [sflag:$0x3], $0x10, s26, s9, $0xb8;
	[tilespmem:$0x1A800] =	vst v63  }
0xd9: {  	_ =	swait.ge [sflag:s13], $0x2000  }
0xda: {  	[sflag:s13] =	ssyncset.done $0x0  }
0xdb: {  	s28 =	simm.s32 $0xA00;
	[sflag:s13] =	ssyncadd.s32 $0xFFFFE000  }
0xdc: {  	[tilespmem:s11], [sflag:$0x2] =	stream.indirect.gather [spmem:s4], $0x10, s28, s9, $0xb8;
	[tilespmem:$0x1A800] =	vst v63  }
0xdd: {  	_ =	swait.ge [sflag:s14], $0x2000  }
0xde: {  	[sflag:s14] =	ssyncset.done $0x0  }
0xdf: {  	s29 =	simm.s32 $0x3000;
	[sflag:s14] =	ssyncadd.s32 $0xFFFFE000  }
0xe0: {  	[spmem:s7] =	stream.indirect.scatter.add.f32 [tilespmem:s12], [sflag:$0x3], $0x10, s29, s9, $0xb8;
	[tilespmem:$0x1A800] =	vst v63  }
0xe1: {  	_ =	swait.ge [sflag:s13], $0x2000  }
0xe2: {  	[sflag:s13] =	ssyncset.done $0x0  }
0xe3: {  	s30 =	simm.s32 $0xC00;
	[sflag:s13] =	ssyncadd.s32 $0xFFFFE000  }
0xe4: {  	[tilespmem:s12], [sflag:$0x1] =	stream.indirect.gather [spmem:s4], $0x10, s30, s9, $0xb8;
	[tilespmem:$0x1A800] =	vst v63  }
0xe5: {  	_ =	swait.ge [sflag:s15], $0x2000  }
0xe6: {  	[sflag:s15] =	ssyncset.done $0x0  }
0xe7: {  	s31 =	simm.s32 $0x3200;
	[sflag:s15] =	ssyncadd.s32 $0xFFFFE000  }
0xe8: {  	[spmem:s7] =	stream.indirect.scatter.add.f32 [tilespmem:s11], [sflag:$0x3], $0x10, s31, s9, $0xb8;
	[tilespmem:$0x1A800] =	vst v63  }
0xe9: {  	_ =	swait.ge [sflag:s13], $0x2000  }
0xea: {  	[sflag:s13] =	ssyncset.done $0x0  }
0xeb: {  	s17 =	simm.s32 $0xE00;
	[sflag:s13] =	ssyncadd.s32 $0xFFFFE000  }
0xec: {  	[tilespmem:s11], [sflag:$0x2] =	stream.indirect.gather [spmem:s4], $0x10, s17, s9, $0xb8;
	[tilespmem:$0x1A800] =	vst v63  }
0xed: {  	_ =	swait.ge [sflag:s14], $0x2000  }
0xee: {  	[sflag:s14] =	ssyncset.done $0x0  }
0xef: {  	s18 =	simm.s32 $0x3400;
	[sflag:s14] =	ssyncadd.s32 $0xFFFFE000  }
0xf0: {  	[spmem:s7] =	stream.indirect.scatter.add.f32 [tilespmem:s12], [sflag:$0x3], $0x10, s18, s9, $0xb8;
	[tilespmem:$0x1A800] =	vst v63  }
0xf1: {  	_ =	swait.ge [sflag:s13], $0x2000  }
0xf2: {  	[sflag:s13] =	ssyncset.done $0x0  }
0xf3: {  	s19 =	simm.s32 $0x1000;
	[sflag:s13] =	ssyncadd.s32 $0xFFFFE000  }
0xf4: {  	[tilespmem:s12], [sflag:$0x1] =	stream.indirect.gather [spmem:s4], $0x10, s19, s9, $0xb8;
	[tilespmem:$0x1A800] =	vst v63  }
0xf5: {  	_ =	swait.ge [sflag:s15], $0x2000  }
0xf6: {  	[sflag:s15] =	ssyncset.done $0x0  }
0xf7: {  	s20 =	simm.s32 $0x3600;
	[sflag:s15] =	ssyncadd.s32 $0xFFFFE000  }
0xf8: {  	[spmem:s7] =	stream.indirect.scatter.add.f32 [tilespmem:s11], [sflag:$0x3], $0x10, s20, s9, $0xb8;
	[tilespmem:$0x1A800] =	vst v63  }
0xf9: {  	_ =	swait.ge [sflag:s13], $0x2000  }
0xfa: {  	[sflag:s13] =	ssyncset.done $0x0  }
0xfb: {  	s21 =	simm.s32 $0x1200;
	[sflag:s13] =	ssyncadd.s32 $0xFFFFE000  }
0xfc: {  	[tilespmem:s11], [sflag:$0x2] =	stream.indirect.gather [spmem:s4], $0x10, s21, s9, $0xb8;
	[tilespmem:$0x1A800] =	vst v63  }
0xfd: {  	_ =	swait.ge [sflag:s14], $0x2000  }
0xfe: {  	[sflag:s14] =	ssyncset.done $0x0  }
0xff: {  	s22 =	simm.s32 $0x3800;
	[sflag:s14] =	ssyncadd.s32 $0xFFFFE000  }
0x100: {  	[spmem:s7] =	stream.indirect.scatter.add.f32 [tilespmem:s12], [sflag:$0x3], $0x10, s22, s9, $0xb8;
	[tilespmem:$0x1A800] =	vst v63  }
0x101: {  	_ =	swait.ge [sflag:s13], $0x2000  }
0x102: {  	[sflag:s13] =	ssyncset.done $0x0  }
0x103: {  	s23 =	simm.s32 $0x1400;
	[sflag:s13] =	ssyncadd.s32 $0xFFFFE000  }
0x104: {  	[tilespmem:s12], [sflag:$0x1] =	stream.indirect.gather [spmem:s4], $0x10, s23, s9, $0xb8;
	[tilespmem:$0x1A800] =	vst v63  }
0x105: {  	_ =	swait.ge [sflag:s15], $0x2000  }
0x106: {  	[sflag:s15] =	ssyncset.done $0x0  }
0x107: {  	s24 =	simm.s32 $0x3A00;
	[sflag:s15] =	ssyncadd.s32 $0xFFFFE000  }
0x108: {  	[spmem:s7] =	stream.indirect.scatter.add.f32 [tilespmem:s11], [sflag:$0x3], $0x10, s24, s9, $0xb8;
	[tilespmem:$0x1A800] =	vst v63  }
0x109: {  	_ =	swait.ge [sflag:s13], $0x2000  }
0x10a: {  	[sflag:s13] =	ssyncset.done $0x0  }
0x10b: {  	s25 =	simm.s32 $0x1600;
	[sflag:s13] =	ssyncadd.s32 $0xFFFFE000  }
0x10c: {  	[tilespmem:s11], [sflag:$0x2] =	stream.indirect.gather [spmem:s4], $0x10, s25, s9, $0xb8;
	[tilespmem:$0x1A800] =	vst v63  }
0x10d: {  	_ =	swait.ge [sflag:s14], $0x2000  }
0x10e: {  	[sflag:s14] =	ssyncset.done $0x0  }
0x10f: {  	s26 =	simm.s32 $0x3C00;
	[sflag:s14] =	ssyncadd.s32 $0xFFFFE000  }
0x110: {  	[spmem:s7] =	stream.indirect.scatter.add.f32 [tilespmem:s12], [sflag:$0x3], $0x10, s26, s9, $0xb8;
	[tilespmem:$0x1A800] =	vst v63  }
0x111: {  	_ =	swait.ge [sflag:s13], $0x2000  }
0x112: {  	[sflag:s13] =	ssyncset.done $0x0  }
0x113: {  	s28 =	simm.s32 $0x1800;
	[sflag:s13] =	ssyncadd.s32 $0xFFFFE000  }
0x114: {  	[tilespmem:s12], [sflag:$0x1] =	stream.indirect.gather [spmem:s4], $0x10, s28, s9, $0xb8;
	[tilespmem:$0x1A800] =	vst v63  }
0x115: {  	_ =	swait.ge [sflag:s15], $0x2000  }
0x116: {  	[sflag:s15] =	ssyncset.done $0x0  }
0x117: {  	s29 =	simm.s32 $0x3E00;
	[sflag:s15] =	ssyncadd.s32 $0xFFFFE000  }
0x118: {  	[spmem:s7] =	stream.indirect.scatter.add.f32 [tilespmem:s11], [sflag:$0x3], $0x10, s29, s9, $0xb8;
	[tilespmem:$0x1A800] =	vst v63  }
0x119: {  	_ =	swait.ge [sflag:s13], $0x2000  }
0x11a: {  	[sflag:s13] =	ssyncset.done $0x0  }
0x11b: {  	s30 =	simm.s32 $0x1A00;
	[sflag:s13] =	ssyncadd.s32 $0xFFFFE000  }
0x11c: {  	[tilespmem:s11], [sflag:$0x2] =	stream.indirect.gather [spmem:s4], $0x10, s30, s9, $0xb8;
	[tilespmem:$0x1A800] =	vst v63  }
0x11d: {  	_ =	swait.ge [sflag:s14], $0x2000  }
0x11e: {  	[sflag:s14] =	ssyncset.done $0x0  }
0x11f: {  	s31 =	simm.s32 $0x4000;
	[sflag:s14] =	ssyncadd.s32 $0xFFFFE000  }
0x120: {  	[spmem:s7] =	stream.indirect.scatter.add.f32 [tilespmem:s12], [sflag:$0x3], $0x10, s31, s9, $0xb8;
	[tilespmem:$0x1A800] =	vst v63  }
0x121: {  	_ =	swait.ge [sflag:s13], $0x2000  }
0x122: {  	[sflag:s13] =	ssyncset.done $0x0  }
0x123: {  	s17 =	simm.s32 $0x1C00;
	[sflag:s13] =	ssyncadd.s32 $0xFFFFE000  }
0x124: {  	[tilespmem:s12], [sflag:$0x1] =	stream.indirect.gather [spmem:s4], $0x10, s17, s9, $0xb8;
	[tilespmem:$0x1A800] =	vst v63  }
0x125: {  	_ =	swait.ge [sflag:s15], $0x2000  }
0x126: {  	[sflag:s15] =	ssyncset.done $0x0  }
0x127: {  	s18 =	simm.s32 $0x4200;
	[sflag:s15] =	ssyncadd.s32 $0xFFFFE000  }
0x128: {  	[spmem:s7] =	stream.indirect.scatter.add.f32 [tilespmem:s11], [sflag:$0x3], $0x10, s18, s9, $0xb8;
	[tilespmem:$0x1A800] =	vst v63  }
0x129: {  	_ =	swait.ge [sflag:s13], $0x2000  }
0x12a: {  	[sflag:s13] =	ssyncset.done $0x0  }
0x12b: {  	s19 =	simm.s32 $0x1E00;
	[sflag:s13] =	ssyncadd.s32 $0xFFFFE000  }
0x12c: {  	[tilespmem:s11], [sflag:$0x2] =	stream.indirect.gather [spmem:s4], $0x10, s19, s9, $0xb8;
	[tilespmem:$0x1A800] =	vst v63  }
0x12d: {  	_ =	swait.ge [sflag:s14], $0x2000  }
0x12e: {  	[sflag:s14] =	ssyncset.done $0x0  }
0x12f: {  	s20 =	simm.s32 $0x4400;
	[sflag:s14] =	ssyncadd.s32 $0xFFFFE000  }
0x130: {  	[spmem:s7] =	stream.indirect.scatter.add.f32 [tilespmem:s12], [sflag:$0x3], $0x10, s20, s9, $0xb8;
	[tilespmem:$0x1A800] =	vst v63  }
0x131: {  	_ =	swait.ge [sflag:s13], $0x2000  }
0x132: {  	[sflag:s13] =	ssyncset.done $0x0  }
0x133: {  	s21 =	simm.s32 $0x2000;
	[sflag:s13] =	ssyncadd.s32 $0xFFFFE000  }
0x134: {  	[tilespmem:s12], [sflag:$0x1] =	stream.indirect.gather [spmem:s4], $0x10, s21, s9, $0xb8;
	[tilespmem:$0x1A800] =	vst v63  }
0x135: {  	_ =	swait.ge [sflag:s15], $0x2000  }
0x136: {  	[sflag:s15] =	ssyncset.done $0x0  }
0x137: {  	s22 =	simm.s32 $0x4600;
	[sflag:s15] =	ssyncadd.s32 $0xFFFFE000  }
0x138: {  	[spmem:s7] =	stream.indirect.scatter.add.f32 [tilespmem:s11], [sflag:$0x3], $0x10, s22, s9, $0xb8;
	[tilespmem:$0x1A800] =	vst v63  }
0x139: {  	_ =	swait.ge [sflag:s13], $0x2000  }
0x13a: {  	[sflag:s13] =	ssyncset.done $0x0  }
0x13b: {  	s23 =	simm.s32 $0x2200;
	[sflag:s13] =	ssyncadd.s32 $0xFFFFE000  }
0x13c: {  	[tilespmem:s11], [sflag:$0x2] =	stream.indirect.gather [spmem:s4], $0x10, s23, s9, $0xb8;
	[tilespmem:$0x1A800] =	vst v63  }
0x13d: {  	_ =	swait.ge [sflag:s14], $0x2000  }
0x13e: {  	[sflag:s14] =	ssyncset.done $0x0  }
0x13f: {  	s24 =	simm.s32 $0x4800;
	[sflag:s14] =	ssyncadd.s32 $0xFFFFE000  }
0x140: {  	[spmem:s7] =	stream.indirect.scatter.add.f32 [tilespmem:s12], [sflag:$0x3], $0x10, s24, s9, $0xb8;
	[tilespmem:$0x1A800] =	vst v63  }
0x141: {  	_ =	swait.ge [sflag:s13], $0x2000  }
0x142: {  	[sflag:s13] =	ssyncset.done $0x0  }
0x143: {  	s25 =	simm.s32 $0x2400;
	[sflag:s13] =	ssyncadd.s32 $0xFFFFE000  }
0x144: {  	[tilespmem:s12], [sflag:$0x1] =	stream.indirect.gather [spmem:s4], $0x10, s25, s9, $0xb8;
	[tilespmem:$0x1A800] =	vst v63  }
0x145: {  	_ =	swait.ge [sflag:s15], $0x2000  }
0x146: {  	[sflag:s15] =	ssyncset.done $0x0  }
0x147: {  	s26 =	simm.s32 $0x4A00;
	[sflag:s15] =	ssyncadd.s32 $0xFFFFE000  }
0x148: {  	[spmem:s7] =	stream.indirect.scatter.add.f32 [tilespmem:s11], [sflag:$0x3], $0x10, s26, s9, $0xb8;
	[tilespmem:$0x1A800] =	vst v63  }
0x149: {  	_ =	swait.ge [sflag:s13], $0x2000  }
0x14a: {  	[sflag:s13] =	ssyncset.done $0x0  }
0x14b: {  	s28 =	simm.s32 $0x2600;
	[sflag:s13] =	ssyncadd.s32 $0xFFFFE000  }
0x14c: {  	[tilespmem:s11], [sflag:$0x2] =	stream.indirect.gather [spmem:s4], $0x10, s28, s9, $0xb8;
	[tilespmem:$0x1A800] =	vst v63  }
0x14d: {  	_ =	swait.ge [sflag:s14], $0x2000  }
0x14e: {  	[sflag:s14] =	ssyncset.done $0x0  }
0x14f: {  	s29 =	simm.s32 $0x4C00;
	[sflag:s14] =	ssyncadd.s32 $0xFFFFE000  }
0x150: {  	[spmem:s7] =	stream.indirect.scatter.add.f32 [tilespmem:s12], [sflag:$0x3], $0x10, s29, s9, $0xb8;
	[tilespmem:$0x1A800] =	vst v63  }
0x151: {  	_ =	swait.ge [sflag:s13], $0x2000  }
0x152: {  	[sflag:s13] =	ssyncset.done $0x0  }
0x153: {  	[sflag:s13] =	ssyncadd.s32 $0xFFFFE000  }
0x154: {  	_ =	swait.ge [sflag:s15], $0x2000  }
0x155: {  	[sflag:s15] =	ssyncset.done $0x0  }
0x156: {  	s30 =	simm.s32 $0x4E00;
	[sflag:s15] =	ssyncadd.s32 $0xFFFFE000  }
0x157: {  	[spmem:s7] =	stream.indirect.scatter.add.f32 [tilespmem:s11], [sflag:$0x3], $0x10, s30, s9, $0xb8;
	[tilespmem:$0x1A800] =	vst v63  }
0x158: {  	_ =	swait.ge [sflag:s13], $0x2000  }
0x159: {  	[sflag:s13] =	ssyncset.done $0x0  }
0x15a: {  	[sflag:s13] =	ssyncadd.s32 $0xFFFFE000  }
0x15b: {  	s31 =	simm.s32 $0xE000;
	[bflag:$0x0] =	sbarrier.arrive $0xFFFF  }
0x15c: {  	[tilespmem:s31], [sflag:$0x3] =	stream.linear.gather [spmem:s8], $0x2800, $0x38;
	[tilespmem:$0x1A800] =	vst v63  }
0x15d: {  	_ =	swait.ge [sflag:s13], $0x2800  }
0x15e: {  	[sflag:s13] =	ssyncset.done $0x0  }
0x15f: {  	s7 =	simm.s32 $0x0;
	[sflag:s13] =	ssyncadd.s32 $0xFFFFD800  }
0x160: {  	v1 =	vld [tilespmem:s7+$0x9000]  }
0x161: {  	v2 =	vld [tilespmem:s7+$0xE000];
	_ =	sdelay $0x1  }
0x162: {  	v0 =	vld [tilespmem:s7+$0xB800];
	_ =	sdelay $0x2  }
0x163: {  	v1 =	vadd.f32 v1, v2;
	_ =	sdelay $0x1  }
0x164: {  	s9 =	simm.s32 $0x80;
	s8 =	simm.s32 $0x40;
	v1 =	vmul.f32 v1, v0  }
.LBB2_3:
0x165: {  	p0 =	sne.s32 s9, $0x9FC0;
	s11 =	sshra.s32 s8, $0x2;
	s8 =	smov.u32 s9  }
0x166: {  	v2 =	vld [tilespmem:s11+$0x9000];
	[tilespmem:s7+$0xE000] =	vst v1;
	v0 =	vmul.f32 v1, v0  }
0x167: {  	v1 =	vld [tilespmem:s11+$0xE000]  }
0x168: {  	[tilespmem:s7+$0x10800] =	vst v0;
	s7 =	smov.u32 s11  }
0x169: {  	v0 =	vld [tilespmem:s7+$0xB800]  }
.Ltmp1:
0x16a: {  	(pc) =	sbr.rel @p0 .LBB2_3-.Ltmp1, $3  }
0x16b: {  	_ = 	snop  }
0x16c: {  	v1 =	vadd.f32 v2, v1;
	_ =	sdelay $0x1  }
0x16d: {  	s9 =	sadd.s32 $0x40, s9;
	v1 =	vmul.f32 v1, v0  }
0x16e: {  	s8 =	sshra.s32 s8, $0x2  }
0x16f: {  	v2 =	vld [tilespmem:s8+$0x9000];
	[tilespmem:s7+$0xE000] =	vst v1;
	v0 =	vmul.f32 v1, v0  }
0x170: {  	v1 =	vld [tilespmem:s8+$0xE000]  }
0x171: {  	[tilespmem:s7+$0x10800] =	vst v0  }
0x172: {  	v0 =	vld [tilespmem:s8+$0xB800];
	_ =	sdelay $0x2  }
0x173: {  	v1 =	vadd.f32 v2, v1;
	_ =	sdelay $0x1  }
0x174: {  	v1 =	vmul.f32 v1, v0;
	_ =	sdelay $0x1  }
0x175: {  	v0 =	vmul.f32 v1, v0  }
0x176: {  	[tilespmem:s8+$0xE000] =	vst v1  }
0x177: {  	s28 =	simm.s32 $0x10800;
	s7 =	simm.s32 $0x3;
	[tilespmem:s8+$0x10800] =	vst v0  }
0x178: {  	[spmem:s10] =	stream.linear.scatter [tilespmem:s28], [sflag:$0x3], $0x2800, $0x38;
	[tilespmem:$0x1A800] =	vst v63  }
0x179: {  	_ =	swait.ge [sflag:s7], $0x2800  }
0x17a: {  	[sflag:s7] =	ssyncset.done $0x0  }
0x17b: {  	s9 =	simm.s32 $0x0;
	[sflag:s7] =	ssyncadd.s32 $0xFFFFD800  }
0x17c: {  	s8 =	simm.s32 $0x200;
	s10 =	simm.s32 $0x5000;
	[bflag:$0x0] =	sbarrier.arrive $0xFFFF  }
0x17d: {  	[tilespmem:s10], [sflag:$0x1] =	stream.indirect.gather [spmem:s4], $0x10, s9, s8, $0xb8;
	[tilespmem:$0x1A800] =	vst v63  }
0x17e: {  	s11 =	simm.s32 $0x1;
	s9 =	simm.s32 $0x7000  }
0x17f: {  	[tilespmem:s9], [sflag:$0x2] =	stream.indirect.gather [spmem:s4], $0x10, s8, s8, $0xb8;
	[tilespmem:$0x1A800] =	vst v63  }
0x180: {  	_ =	swait.ge [sflag:s11], $0x2000  }
0x181: {  	[sflag:s11] =	ssyncset.done $0x0  }
0x182: {  	s12 =	simm.s32 $0x2800;
	[sflag:s11] =	ssyncadd.s32 $0xFFFFE000  }
0x183: {  	[spmem:s2] =	stream.indirect.scatter.add.f32 [tilespmem:s10], [sflag:$0x3], $0x10, s12, s8, $0xb8;
	[tilespmem:$0x1A800] =	vst v63  }
0x184: {  	_ =	swait.ge [sflag:s7], $0x2000  }
0x185: {  	[sflag:s7] =	ssyncset.done $0x0  }
0x186: {  	s29 =	simm.s32 $0x400;
	s12 =	simm.s32 $0x2;
	[sflag:s7] =	ssyncadd.s32 $0xFFFFE000  }
0x187: {  	[tilespmem:s10], [sflag:$0x1] =	stream.indirect.gather [spmem:s4], $0x10, s29, s8, $0xb8;
	[tilespmem:$0x1A800] =	vst v63  }
0x188: {  	_ =	swait.ge [sflag:s12], $0x2000  }
0x189: {  	[sflag:s12] =	ssyncset.done $0x0  }
0x18a: {  	s13 =	simm.s32 $0x2A00;
	[sflag:s12] =	ssyncadd.s32 $0xFFFFE000  }
0x18b: {  	[spmem:s2] =	stream.indirect.scatter.add.f32 [tilespmem:s9], [sflag:$0x3], $0x10, s13, s8, $0xb8;
	[tilespmem:$0x1A800] =	vst v63  }
0x18c: {  	_ =	swait.ge [sflag:s7], $0x2000  }
0x18d: {  	[sflag:s7] =	ssyncset.done $0x0  }
0x18e: {  	s30 =	simm.s32 $0x600;
	[sflag:s7] =	ssyncadd.s32 $0xFFFFE000  }
0x18f: {  	[tilespmem:s9], [sflag:$0x2] =	stream.indirect.gather [spmem:s4], $0x10, s30, s8, $0xb8;
	[tilespmem:$0x1A800] =	vst v63  }
0x190: {  	_ =	swait.ge [sflag:s11], $0x2000  }
0x191: {  	[sflag:s11] =	ssyncset.done $0x0  }
0x192: {  	s31 =	simm.s32 $0x2C00;
	[sflag:s11] =	ssyncadd.s32 $0xFFFFE000  }
0x193: {  	[spmem:s2] =	stream.indirect.scatter.add.f32 [tilespmem:s10], [sflag:$0x3], $0x10, s31, s8, $0xb8;
	[tilespmem:$0x1A800] =	vst v63  }
0x194: {  	_ =	swait.ge [sflag:s7], $0x2000  }
0x195: {  	[sflag:s7] =	ssyncset.done $0x0  }
0x196: {  	s14 =	simm.s32 $0x800;
	[sflag:s7] =	ssyncadd.s32 $0xFFFFE000  }
0x197: {  	[tilespmem:s10], [sflag:$0x1] =	stream.indirect.gather [spmem:s4], $0x10, s14, s8, $0xb8;
	[tilespmem:$0x1A800] =	vst v63  }
0x198: {  	_ =	swait.ge [sflag:s12], $0x2000  }
0x199: {  	[sflag:s12] =	ssyncset.done $0x0  }
0x19a: {  	s15 =	simm.s32 $0x2E00;
	[sflag:s12] =	ssyncadd.s32 $0xFFFFE000  }
0x19b: {  	[spmem:s2] =	stream.indirect.scatter.add.f32 [tilespmem:s9], [sflag:$0x3], $0x10, s15, s8, $0xb8;
	[tilespmem:$0x1A800] =	vst v63  }
0x19c: {  	_ =	swait.ge [sflag:s7], $0x2000  }
0x19d: {  	[sflag:s7] =	ssyncset.done $0x0  }
0x19e: {  	s16 =	simm.s32 $0xA00;
	[sflag:s7] =	ssyncadd.s32 $0xFFFFE000  }
0x19f: {  	[tilespmem:s9], [sflag:$0x2] =	stream.indirect.gather [spmem:s4], $0x10, s16, s8, $0xb8;
	[tilespmem:$0x1A800] =	vst v63  }
0x1a0: {  	_ =	swait.ge [sflag:s11], $0x2000  }
0x1a1: {  	[sflag:s11] =	ssyncset.done $0x0  }
0x1a2: {  	s17 =	simm.s32 $0x3000;
	[sflag:s11] =	ssyncadd.s32 $0xFFFFE000  }
0x1a3: {  	[spmem:s2] =	stream.indirect.scatter.add.f32 [tilespmem:s10], [sflag:$0x3], $0x10, s17, s8, $0xb8;
	[tilespmem:$0x1A800] =	vst v63  }
0x1a4: {  	_ =	swait.ge [sflag:s7], $0x2000  }
0x1a5: {  	[sflag:s7] =	ssyncset.done $0x0  }
0x1a6: {  	s18 =	simm.s32 $0xC00;
	[sflag:s7] =	ssyncadd.s32 $0xFFFFE000  }
0x1a7: {  	[tilespmem:s10], [sflag:$0x1] =	stream.indirect.gather [spmem:s4], $0x10, s18, s8, $0xb8;
	[tilespmem:$0x1A800] =	vst v63  }
0x1a8: {  	_ =	swait.ge [sflag:s12], $0x2000  }
0x1a9: {  	[sflag:s12] =	ssyncset.done $0x0  }
0x1aa: {  	s19 =	simm.s32 $0x3200;
	[sflag:s12] =	ssyncadd.s32 $0xFFFFE000  }
0x1ab: {  	[spmem:s2] =	stream.indirect.scatter.add.f32 [tilespmem:s9], [sflag:$0x3], $0x10, s19, s8, $0xb8;
	[tilespmem:$0x1A800] =	vst v63  }
0x1ac: {  	_ =	swait.ge [sflag:s7], $0x2000  }
0x1ad: {  	[sflag:s7] =	ssyncset.done $0x0  }
0x1ae: {  	s20 =	simm.s32 $0xE00;
	[sflag:s7] =	ssyncadd.s32 $0xFFFFE000  }
0x1af: {  	[tilespmem:s9], [sflag:$0x2] =	stream.indirect.gather [spmem:s4], $0x10, s20, s8, $0xb8;
	[tilespmem:$0x1A800] =	vst v63  }
0x1b0: {  	_ =	swait.ge [sflag:s11], $0x2000  }
0x1b1: {  	[sflag:s11] =	ssyncset.done $0x0  }
0x1b2: {  	s21 =	simm.s32 $0x3400;
	[sflag:s11] =	ssyncadd.s32 $0xFFFFE000  }
0x1b3: {  	[spmem:s2] =	stream.indirect.scatter.add.f32 [tilespmem:s10], [sflag:$0x3], $0x10, s21, s8, $0xb8;
	[tilespmem:$0x1A800] =	vst v63  }
0x1b4: {  	_ =	swait.ge [sflag:s7], $0x2000  }
0x1b5: {  	[sflag:s7] =	ssyncset.done $0x0  }
0x1b6: {  	s22 =	simm.s32 $0x1000;
	[sflag:s7] =	ssyncadd.s32 $0xFFFFE000  }
0x1b7: {  	[tilespmem:s10], [sflag:$0x1] =	stream.indirect.gather [spmem:s4], $0x10, s22, s8, $0xb8;
	[tilespmem:$0x1A800] =	vst v63  }
0x1b8: {  	_ =	swait.ge [sflag:s12], $0x2000  }
0x1b9: {  	[sflag:s12] =	ssyncset.done $0x0  }
0x1ba: {  	s23 =	simm.s32 $0x3600;
	[sflag:s12] =	ssyncadd.s32 $0xFFFFE000  }
0x1bb: {  	[spmem:s2] =	stream.indirect.scatter.add.f32 [tilespmem:s9], [sflag:$0x3], $0x10, s23, s8, $0xb8;
	[tilespmem:$0x1A800] =	vst v63  }
0x1bc: {  	_ =	swait.ge [sflag:s7], $0x2000  }
0x1bd: {  	[sflag:s7] =	ssyncset.done $0x0  }
0x1be: {  	s24 =	simm.s32 $0x1200;
	[sflag:s7] =	ssyncadd.s32 $0xFFFFE000  }
0x1bf: {  	[tilespmem:s9], [sflag:$0x2] =	stream.indirect.gather [spmem:s4], $0x10, s24, s8, $0xb8;
	[tilespmem:$0x1A800] =	vst v63  }
0x1c0: {  	_ =	swait.ge [sflag:s11], $0x2000  }
0x1c1: {  	[sflag:s11] =	ssyncset.done $0x0  }
0x1c2: {  	s25 =	simm.s32 $0x3800;
	[sflag:s11] =	ssyncadd.s32 $0xFFFFE000  }
0x1c3: {  	[spmem:s2] =	stream.indirect.scatter.add.f32 [tilespmem:s10], [sflag:$0x3], $0x10, s25, s8, $0xb8;
	[tilespmem:$0x1A800] =	vst v63  }
0x1c4: {  	_ =	swait.ge [sflag:s7], $0x2000  }
0x1c5: {  	[sflag:s7] =	ssyncset.done $0x0  }
0x1c6: {  	s26 =	simm.s32 $0x1400;
	[sflag:s7] =	ssyncadd.s32 $0xFFFFE000  }
0x1c7: {  	[tilespmem:s10], [sflag:$0x1] =	stream.indirect.gather [spmem:s4], $0x10, s26, s8, $0xb8;
	[tilespmem:$0x1A800] =	vst v63  }
0x1c8: {  	_ =	swait.ge [sflag:s12], $0x2000  }
0x1c9: {  	[sflag:s12] =	ssyncset.done $0x0  }
0x1ca: {  	s28 =	simm.s32 $0x3A00;
	[sflag:s12] =	ssyncadd.s32 $0xFFFFE000  }
0x1cb: {  	[spmem:s2] =	stream.indirect.scatter.add.f32 [tilespmem:s9], [sflag:$0x3], $0x10, s28, s8, $0xb8;
	[tilespmem:$0x1A800] =	vst v63  }
0x1cc: {  	_ =	swait.ge [sflag:s7], $0x2000  }
0x1cd: {  	[sflag:s7] =	ssyncset.done $0x0  }
0x1ce: {  	s29 =	simm.s32 $0x1600;
	[sflag:s7] =	ssyncadd.s32 $0xFFFFE000  }
0x1cf: {  	[tilespmem:s9], [sflag:$0x2] =	stream.indirect.gather [spmem:s4], $0x10, s29, s8, $0xb8;
	[tilespmem:$0x1A800] =	vst v63  }
0x1d0: {  	_ =	swait.ge [sflag:s11], $0x2000  }
0x1d1: {  	[sflag:s11] =	ssyncset.done $0x0  }
0x1d2: {  	s30 =	simm.s32 $0x3C00;
	[sflag:s11] =	ssyncadd.s32 $0xFFFFE000  }
0x1d3: {  	[spmem:s2] =	stream.indirect.scatter.add.f32 [tilespmem:s10], [sflag:$0x3], $0x10, s30, s8, $0xb8;
	[tilespmem:$0x1A800] =	vst v63  }
0x1d4: {  	_ =	swait.ge [sflag:s7], $0x2000  }
0x1d5: {  	[sflag:s7] =	ssyncset.done $0x0  }
0x1d6: {  	s31 =	simm.s32 $0x1800;
	[sflag:s7] =	ssyncadd.s32 $0xFFFFE000  }
0x1d7: {  	[tilespmem:s10], [sflag:$0x1] =	stream.indirect.gather [spmem:s4], $0x10, s31, s8, $0xb8;
	[tilespmem:$0x1A800] =	vst v63  }
0x1d8: {  	_ =	swait.ge [sflag:s12], $0x2000  }
0x1d9: {  	[sflag:s12] =	ssyncset.done $0x0  }
0x1da: {  	s14 =	simm.s32 $0x3E00;
	[sflag:s12] =	ssyncadd.s32 $0xFFFFE000  }
0x1db: {  	[spmem:s2] =	stream.indirect.scatter.add.f32 [tilespmem:s9], [sflag:$0x3], $0x10, s14, s8, $0xb8;
	[tilespmem:$0x1A800] =	vst v63  }
0x1dc: {  	_ =	swait.ge [sflag:s7], $0x2000  }
0x1dd: {  	[sflag:s7] =	ssyncset.done $0x0  }
0x1de: {  	s15 =	simm.s32 $0x1A00;
	[sflag:s7] =	ssyncadd.s32 $0xFFFFE000  }
0x1df: {  	[tilespmem:s9], [sflag:$0x2] =	stream.indirect.gather [spmem:s4], $0x10, s15, s8, $0xb8;
	[tilespmem:$0x1A800] =	vst v63  }
0x1e0: {  	_ =	swait.ge [sflag:s11], $0x2000  }
0x1e1: {  	[sflag:s11] =	ssyncset.done $0x0  }
0x1e2: {  	s16 =	simm.s32 $0x4000;
	[sflag:s11] =	ssyncadd.s32 $0xFFFFE000  }
0x1e3: {  	[spmem:s2] =	stream.indirect.scatter.add.f32 [tilespmem:s10], [sflag:$0x3], $0x10, s16, s8, $0xb8;
	[tilespmem:$0x1A800] =	vst v63  }
0x1e4: {  	_ =	swait.ge [sflag:s7], $0x2000  }
0x1e5: {  	[sflag:s7] =	ssyncset.done $0x0  }
0x1e6: {  	s17 =	simm.s32 $0x1C00;
	[sflag:s7] =	ssyncadd.s32 $0xFFFFE000  }
0x1e7: {  	[tilespmem:s10], [sflag:$0x1] =	stream.indirect.gather [spmem:s4], $0x10, s17, s8, $0xb8;
	[tilespmem:$0x1A800] =	vst v63  }
0x1e8: {  	_ =	swait.ge [sflag:s12], $0x2000  }
0x1e9: {  	[sflag:s12] =	ssyncset.done $0x0  }
0x1ea: {  	s18 =	simm.s32 $0x4200;
	[sflag:s12] =	ssyncadd.s32 $0xFFFFE000  }
0x1eb: {  	[spmem:s2] =	stream.indirect.scatter.add.f32 [tilespmem:s9], [sflag:$0x3], $0x10, s18, s8, $0xb8;
	[tilespmem:$0x1A800] =	vst v63  }
0x1ec: {  	_ =	swait.ge [sflag:s7], $0x2000  }
0x1ed: {  	[sflag:s7] =	ssyncset.done $0x0  }
0x1ee: {  	s19 =	simm.s32 $0x1E00;
	[sflag:s7] =	ssyncadd.s32 $0xFFFFE000  }
0x1ef: {  	[tilespmem:s9], [sflag:$0x2] =	stream.indirect.gather [spmem:s4], $0x10, s19, s8, $0xb8;
	[tilespmem:$0x1A800] =	vst v63  }
0x1f0: {  	_ =	swait.ge [sflag:s11], $0x2000  }
0x1f1: {  	[sflag:s11] =	ssyncset.done $0x0  }
0x1f2: {  	s20 =	simm.s32 $0x4400;
	[sflag:s11] =	ssyncadd.s32 $0xFFFFE000  }
0x1f3: {  	[spmem:s2] =	stream.indirect.scatter.add.f32 [tilespmem:s10], [sflag:$0x3], $0x10, s20, s8, $0xb8;
	[tilespmem:$0x1A800] =	vst v63  }
0x1f4: {  	_ =	swait.ge [sflag:s7], $0x2000  }
0x1f5: {  	[sflag:s7] =	ssyncset.done $0x0  }
0x1f6: {  	s21 =	simm.s32 $0x2000;
	[sflag:s7] =	ssyncadd.s32 $0xFFFFE000  }
0x1f7: {  	[tilespmem:s10], [sflag:$0x1] =	stream.indirect.gather [spmem:s4], $0x10, s21, s8, $0xb8;
	[tilespmem:$0x1A800] =	vst v63  }
0x1f8: {  	_ =	swait.ge [sflag:s12], $0x2000  }
0x1f9: {  	[sflag:s12] =	ssyncset.done $0x0  }
0x1fa: {  	s22 =	simm.s32 $0x4600;
	[sflag:s12] =	ssyncadd.s32 $0xFFFFE000  }
0x1fb: {  	[spmem:s2] =	stream.indirect.scatter.add.f32 [tilespmem:s9], [sflag:$0x3], $0x10, s22, s8, $0xb8;
	[tilespmem:$0x1A800] =	vst v63  }
0x1fc: {  	_ =	swait.ge [sflag:s7], $0x2000  }
0x1fd: {  	[sflag:s7] =	ssyncset.done $0x0  }
0x1fe: {  	s23 =	simm.s32 $0x2200;
	[sflag:s7] =	ssyncadd.s32 $0xFFFFE000  }
0x1ff: {  	[tilespmem:s9], [sflag:$0x2] =	stream.indirect.gather [spmem:s4], $0x10, s23, s8, $0xb8;
	[tilespmem:$0x1A800] =	vst v63  }
0x200: {  	_ =	swait.ge [sflag:s11], $0x2000  }
0x201: {  	[sflag:s11] =	ssyncset.done $0x0  }
0x202: {  	s24 =	simm.s32 $0x4800;
	[sflag:s11] =	ssyncadd.s32 $0xFFFFE000  }
0x203: {  	[spmem:s2] =	stream.indirect.scatter.add.f32 [tilespmem:s10], [sflag:$0x3], $0x10, s24, s8, $0xb8;
	[tilespmem:$0x1A800] =	vst v63  }
0x204: {  	_ =	swait.ge [sflag:s7], $0x2000  }
0x205: {  	[sflag:s7] =	ssyncset.done $0x0  }
0x206: {  	s25 =	simm.s32 $0x2400;
	[sflag:s7] =	ssyncadd.s32 $0xFFFFE000  }
0x207: {  	[tilespmem:s10], [sflag:$0x1] =	stream.indirect.gather [spmem:s4], $0x10, s25, s8, $0xb8;
	[tilespmem:$0x1A800] =	vst v63  }
0x208: {  	_ =	swait.ge [sflag:s12], $0x2000  }
0x209: {  	[sflag:s12] =	ssyncset.done $0x0  }
0x20a: {  	s26 =	simm.s32 $0x4A00;
	[sflag:s12] =	ssyncadd.s32 $0xFFFFE000  }
0x20b: {  	[spmem:s2] =	stream.indirect.scatter.add.f32 [tilespmem:s9], [sflag:$0x3], $0x10, s26, s8, $0xb8;
	[tilespmem:$0x1A800] =	vst v63  }
0x20c: {  	_ =	swait.ge [sflag:s7], $0x2000  }
0x20d: {  	[sflag:s7] =	ssyncset.done $0x0  }
0x20e: {  	s28 =	simm.s32 $0x2600;
	[sflag:s7] =	ssyncadd.s32 $0xFFFFE000  }
0x20f: {  	[tilespmem:s9], [sflag:$0x2] =	stream.indirect.gather [spmem:s4], $0x10, s28, s8, $0xb8;
	[tilespmem:$0x1A800] =	vst v63  }
0x210: {  	_ =	swait.ge [sflag:s11], $0x2000  }
0x211: {  	[sflag:s11] =	ssyncset.done $0x0  }
0x212: {  	s29 =	simm.s32 $0x4C00;
	[sflag:s11] =	ssyncadd.s32 $0xFFFFE000  }
0x213: {  	[spmem:s2] =	stream.indirect.scatter.add.f32 [tilespmem:s10], [sflag:$0x3], $0x10, s29, s8, $0xb8;
	[tilespmem:$0x1A800] =	vst v63  }
0x214: {  	_ =	swait.ge [sflag:s7], $0x2000  }
0x215: {  	[sflag:s7] =	ssyncset.done $0x0  }
0x216: {  	[sflag:s7] =	ssyncadd.s32 $0xFFFFE000  }
0x217: {  	_ =	swait.ge [sflag:s12], $0x2000  }
0x218: {  	[sflag:s12] =	ssyncset.done $0x0  }
0x219: {  	s30 =	simm.s32 $0x4E00;
	[sflag:s12] =	ssyncadd.s32 $0xFFFFE000  }
0x21a: {  	[spmem:s2] =	stream.indirect.scatter.add.f32 [tilespmem:s9], [sflag:$0x3], $0x10, s30, s8, $0xb8;
	[tilespmem:$0x1A800] =	vst v63  }
0x21b: {  	_ =	swait.ge [sflag:s7], $0x2000  }
0x21c: {  	[sflag:s7] =	ssyncset.done $0x0  }
0x21d: {  	[sflag:s7] =	ssyncadd.s32 $0xFFFFE000  }
0x21e: {  	s31 =	simm.s32 $0x9000;
	[bflag:$0x0] =	sbarrier.arrive $0xFFFF  }
0x21f: {  	[tilespmem:s31], [sflag:$0x3] =	stream.linear.gather [spmem:s3], $0x2800, $0x38;
	[tilespmem:$0x1A800] =	vst v63  }
0x220: {  	_ =	swait.ge [sflag:s7], $0x2800  }
0x221: {  	[sflag:s7] =	ssyncset.done $0x0  }
0x222: {  	s2 =	simm.s32 $0x0;
	[sflag:s7] =	ssyncadd.s32 $0xFFFFD800  }
0x223: {  	vm0 =	vcmask $0x2F34;
	s3 =	simm.s32 $0x40;
	v0 =	vld [tilespmem:s2+$0x10800]  }
.LBB2_5:
0x224: {  	p0 =	sne.s32 s3, $0x9FC0;
	v1 =	vld [tilespmem:s2+$0x9000];
	_ =	sdelay $0x1  }
0x225: {  	v2 =	vld [tilespmem:s2+$0xB800];
	_ =	sdelay $0x1  }
0x226: {  	v3 =	vld [tilespmem:s2+$0xE000]  }
0x227: {  	v0 =	vadd.f32 v0, v1  }
.Ltmp2:
0x228: {  	(pc) =	sbr.rel @p0 .LBB2_5-.Ltmp2, $3  }
0x229: {  	v0 =	vmul.f32 v0, v2;
	_ =	sdelay $0x1  }
0x22a: {  	s4 =	sshra.s32 s3, $0x2;
	v1 =	vsel vm0, v0, v3  }
0x22b: {  	s3 =	sadd.s32 $0x40, s3;
	v0 =	vld [tilespmem:s4+$0x10800];
	[tilespmem:s2+$0x9000] =	vst v1;
	s2 =	smov.u32 s4  }
0x22c: {  	v1 =	vld [tilespmem:s2+$0x9000];
	_ =	sdelay $0x1  }
0x22d: {  	v2 =	vld [tilespmem:s2+$0xB800];
	_ =	sdelay $0x1  }
0x22e: {  	v3 =	vld [tilespmem:s2+$0xE000]  }
0x22f: {  	v0 =	vadd.f32 v0, v1;
	_ =	sdelay $0x1  }
0x230: {  	v0 =	vmul.f32 v0, v2;
	_ =	sdelay $0x1  }
0x231: {  	s30 =	sadd.s32 s6, s5;
	v0 =	vsel vm0, v0, v3  }
0x232: {  	s3 =	simm.s32 $0x0;
	s4 =	simm.s32 $0x9000;
	s31 =	simm.s32 $0x3;
	[tilespmem:s2+$0x9000] =	vst v0  }
0x233: {  	[hbm4b:s30+s3] =	stream.linear.scatter [tilespmem:s4], [sflag:$0x3], $0x2800, $0x38;
	[tilespmem:$0x1A800] =	vst v63  }
0x234: {  	_ =	swait.ge [sflag:s31], $0x2800  }
0x235: {  	[sflag:s31] =	ssyncset.done $0x0  }
0x236: {  	[sflag:s31] =	ssyncadd.s32 $0xFFFFD800  }
0x237: {  	_ =	sfence.sel $0x180000  }
0x238: {  	[bflag:$0x0] =	sbarrier.arrive $0xFFFF  }
0x239: {  	p0 =	sne.s32 s0, $0x0;
	_ =	strace $0x90000047  }
0x23a: {  	s0 =	sadd.s32 @!p0 $0x100000, s1;
	[bflag:$0x2] =	sbarrier.arrive $0xFFFF  }
0x23b: {  	[sflag:s0] =	ssyncadd.tile.s32 @!p0 $0x1;
	_ =	shalt  }
.Lfunc_end2:
_tile_overlayer_lowered:
.L_overlay_start_2:
0x23c: {  	(tag) =	ssettag $0x2  }
0x23d: {  	s0 =	rddreg [dreg:$0x0];
	s2 =	stileid.u32  }
0x23e: {  	s1 =	rddreg [dreg:$0x1];
	p0 =	sne.s32 s2, $0x0  }
0x23f: {  	s3 =	rddreg [dreg:$0x2];
	[bflag:$0x3] =	sbarrier.arrive $0xFFFF;
	s2 =	simm.s32 @!p0 $0x1C03  }
0x240: {  	[timem:s3], [sflag:s2] =	dma.local @!p0 [hbm:s0], s1  }
0x241: {  	s0 =	simm.s32 @!p0 $0x3  }
0x242: {  	_ =	swait.ge @!p0 [sflag:s0], s1  }
0x243: {  	s1 =	ssub.s32 @!p0 $0x0, s1;
	[sflag:s0] =	ssyncset.done @!p0 $0x0  }
0x244: {  	[sflag:s0] =	ssyncadd.s32 @!p0 s1  }
0x245: {  	[bflag:$0x3] =	sbarrier.arrive $0xFFFF  }
0x246: {  	_ =	shalt  }

</sc_bundles>
